<compile_context>
chip_gen: v7x
topology: tpu7x:2x2x1
jax: 0.10.2.dev20260603
libtpu: 0.0.44.dev20260713+nightly
codegen_flags: <defaults>
</compile_context>

<pallas_src>
import jax
import jax.numpy as jnp
from jax import lax
from jax.experimental import pallas as pl
from jax.experimental.pallas import tpu as pltpu
from jax.experimental.pallas import tpu_sc as plsc

_ROWS, _COLS = 16384, 1024
_NW = 32
_ROWS_PER_W = _ROWS // _NW
_CHUNK = 32
_ITERS = _ROWS_PER_W // _CHUNK
_NBUF = 3


def _sc_copy_body(x_hbm, out_hbm, b0, b1, b2, i0, i1, i2, o0, o1, o2):
    wid = lax.axis_index("s") * 2 + lax.axis_index("c")
    base = wid * _ROWS_PER_W
    bufs = (b0, b1, b2)
    isems = (i0, i1, i2)
    osems = (o0, o1, o2)

    def in_copy(i):
        b = i % _NBUF
        return pltpu.make_async_copy(
            x_hbm.at[pl.ds(base + i * _CHUNK, _CHUNK), :], bufs[b], isems[b]
        )

    def out_copy(i):
        b = i % _NBUF
        return pltpu.make_async_copy(
            bufs[b], out_hbm.at[pl.ds(base + i * _CHUNK, _CHUNK), :], osems[b]
        )

    ins = {0: in_copy(0), 1: in_copy(1)}
    ins[0].start()
    ins[1].start()
    outs = {}
    for i in range(_ITERS):
        ins[i].wait()
        outs[i] = out_copy(i)
        outs[i].start()
        nxt = i + 2
        if nxt < _ITERS:
            prev = nxt - _NBUF
            if prev >= 0:
                outs[prev].wait()
            ins[nxt] = in_copy(nxt)
            ins[nxt].start()
    outs[_ITERS - 2].wait()
    outs[_ITERS - 1].wait()


def kernel(x):
    mesh = plsc.VectorSubcoreMesh(core_axis_name="c", subcore_axis_name="s")
    fn = pl.kernel(
        _sc_copy_body,
        out_type=jax.ShapeDtypeStruct((_ROWS, _COLS), jnp.float32),
        mesh=mesh,
        scratch_types=[
            pltpu.VMEM((_CHUNK, _COLS), jnp.float32),
            pltpu.VMEM((_CHUNK, _COLS), jnp.float32),
            pltpu.VMEM((_CHUNK, _COLS), jnp.float32),
            pltpu.SemaphoreType.DMA,
            pltpu.SemaphoreType.DMA,
            pltpu.SemaphoreType.DMA,
            pltpu.SemaphoreType.DMA,
            pltpu.SemaphoreType.DMA,
            pltpu.SemaphoreType.DMA,
        ],
    )
    return fn(x)

# --- scband reference (transcript-rebuilt; emitter-appended) ---
"""Pipeline reference for scband-mo-emodel-87316685127975 (READ-ONLY COPY).

The authoritative reference and input builder live on the scoring server;
editing this copy changes nothing except your own understanding.
"""

import jax, jax.numpy as jnp
import numpy as np


def setup_inputs(seed: int = 0) -> dict:
    key = jax.random.key(seed)
    x = jax.random.normal(key, (16384, 1024), dtype=jnp.float32)
    return {"x": x}


def reference(x):
    # Faithful translation of MoEModel.forward: the provided torch module is a
    # stub whose __init__ builds nothing and whose forward simply returns x.
    return x

if __name__ == "__main__":
    import jax
    _d = setup_inputs()
    print(jax.jit(kernel)(*tuple(_d.values())))

</pallas_src>

<mosaic_0001>
#map = affine_map<(d0, d1) -> (0, 0)>
module attributes {stable_mosaic.version = 14 : i64} {
  func.func @_sc_copy_body(%arg0: i32, %arg1: i32, %arg2: memref<16384x1024xf32, #tpu.memory_space<hbm>>, %arg3: memref<16384x1024xf32, #tpu.memory_space<hbm>>, %arg4: memref<32x1024xf32, #tpu.memory_space<vmem>>, %arg5: memref<32x1024xf32, #tpu.memory_space<vmem>>, %arg6: memref<32x1024xf32, #tpu.memory_space<vmem>>, %arg7: memref<!tpu.dma_semaphore, #tpu.memory_space<semaphore_mem>>, %arg8: memref<!tpu.dma_semaphore, #tpu.memory_space<semaphore_mem>>, %arg9: memref<!tpu.dma_semaphore, #tpu.memory_space<semaphore_mem>>, %arg10: memref<!tpu.dma_semaphore, #tpu.memory_space<semaphore_mem>>, %arg11: memref<!tpu.dma_semaphore, #tpu.memory_space<semaphore_mem>>, %arg12: memref<!tpu.dma_semaphore, #tpu.memory_space<semaphore_mem>>) attributes {dimension_semantics = [#tpu.dimension_semantics<core_parallel>, #tpu.dimension_semantics<subcore_parallel>], iteration_bounds = array<i64: 2, 16>, scalar_prefetch = 0 : i64, scratch_operands = 9 : i64, tpu.core_type = #tpu.core_type<sc_vector_subcore>, window_params = [{transform_indices = #map}, {transform_indices = #map}]} {
    %mul3A = arith.constant 2 : i32
    %mul3A_0 = arith.muli %arg1, %mul3A : i32
    %add3A = arith.addi %mul3A_0, %arg0 : i32
    %mul3A_1 = arith.constant 512 : i32
    %mul3A_2 = arith.muli %add3A, %mul3A_1 : i32
    %add3A_3 = arith.constant 0 : i32
    %add3A_4 = arith.addi %mul3A_2, %add3A_3 : i32
    %add3A_5 = arith.constant 32 : i32
    %add3A_6 = arith.addi %mul3A_2, %add3A_5 : i32
    %dma_start3A = arith.constant 0 : i32
    %dma_start3A_7 = tpu.memref_slice %arg2[%add3A_4, %dma_start3A] : memref<16384x1024xf32, #tpu.memory_space<hbm>> -> memref<32x1024xf32, #tpu.memory_space<hbm>>
    %dma_start3A_8 = arith.constant 0 : i32
    %dma_start3A_9 = tpu.memref_slice %arg2[%add3A_4, %dma_start3A_8] : memref<16384x1024xf32, #tpu.memory_space<hbm>> -> memref<32x1024xf32, #tpu.memory_space<hbm>>
    tpu.enqueue_dma source(%dma_start3A_9 : memref<32x1024xf32, #tpu.memory_space<hbm>>) target(%arg4 : memref<32x1024xf32, #tpu.memory_space<vmem>>) target_semaphore(%arg7 : memref<!tpu.dma_semaphore, #tpu.memory_space<semaphore_mem>>)
    %dma_start3A_10 = arith.constant 0 : i32
    %dma_start3A_11 = tpu.memref_slice %arg2[%add3A_6, %dma_start3A_10] : memref<16384x1024xf32, #tpu.memory_space<hbm>> -> memref<32x1024xf32, #tpu.memory_space<hbm>>
    %dma_start3A_12 = arith.constant 0 : i32
    %dma_start3A_13 = tpu.memref_slice %arg2[%add3A_6, %dma_start3A_12] : memref<16384x1024xf32, #tpu.memory_space<hbm>> -> memref<32x1024xf32, #tpu.memory_space<hbm>>
    tpu.enqueue_dma source(%dma_start3A_13 : memref<32x1024xf32, #tpu.memory_space<hbm>>) target(%arg5 : memref<32x1024xf32, #tpu.memory_space<vmem>>) target_semaphore(%arg8 : memref<!tpu.dma_semaphore, #tpu.memory_space<semaphore_mem>>)
    %dma_wait3A = arith.constant 0 : i32
    %dma_wait3A_14 = tpu.memref_slice %arg2[%add3A_4, %dma_wait3A] : memref<16384x1024xf32, #tpu.memory_space<hbm>> -> memref<32x1024xf32, #tpu.memory_space<hbm>>
    %dma_wait3A_15 = arith.constant 0 : i32
    %dma_wait3A_16 = tpu.memref_slice %arg2[%add3A_4, %dma_wait3A_15] : memref<16384x1024xf32, #tpu.memory_space<hbm>> -> memref<32x1024xf32, #tpu.memory_space<hbm>>
    tpu.wait_dma2 semaphore(%arg7 : memref<!tpu.dma_semaphore, #tpu.memory_space<semaphore_mem>>) src(%dma_wait3A_16 : memref<32x1024xf32, #tpu.memory_space<hbm>>) dst(%arg4 : memref<32x1024xf32, #tpu.memory_space<vmem>>)
    %add3A_17 = arith.constant 0 : i32
    %add3A_18 = arith.addi %mul3A_2, %add3A_17 : i32
    %dma_start3A_19 = arith.constant 0 : i32
    %dma_start3A_20 = tpu.memref_slice %arg3[%add3A_18, %dma_start3A_19] : memref<16384x1024xf32, #tpu.memory_space<hbm>> -> memref<32x1024xf32, #tpu.memory_space<hbm>>
    %dma_start3A_21 = arith.constant 0 : i32
    %dma_start3A_22 = tpu.memref_slice %arg3[%add3A_18, %dma_start3A_21] : memref<16384x1024xf32, #tpu.memory_space<hbm>> -> memref<32x1024xf32, #tpu.memory_space<hbm>>
    tpu.enqueue_dma source(%arg4 : memref<32x1024xf32, #tpu.memory_space<vmem>>) target(%dma_start3A_22 : memref<32x1024xf32, #tpu.memory_space<hbm>>) target_semaphore(%arg10 : memref<!tpu.dma_semaphore, #tpu.memory_space<semaphore_mem>>)
    %add3A_23 = arith.constant 64 : i32
    %add3A_24 = arith.addi %mul3A_2, %add3A_23 : i32
    %dma_start3A_25 = arith.constant 0 : i32
    %dma_start3A_26 = tpu.memref_slice %arg2[%add3A_24, %dma_start3A_25] : memref<16384x1024xf32, #tpu.memory_space<hbm>> -> memref<32x1024xf32, #tpu.memory_space<hbm>>
    %dma_start3A_27 = arith.constant 0 : i32
    %dma_start3A_28 = tpu.memref_slice %arg2[%add3A_24, %dma_start3A_27] : memref<16384x1024xf32, #tpu.memory_space<hbm>> -> memref<32x1024xf32, #tpu.memory_space<hbm>>
    tpu.enqueue_dma source(%dma_start3A_28 : memref<32x1024xf32, #tpu.memory_space<hbm>>) target(%arg6 : memref<32x1024xf32, #tpu.memory_space<vmem>>) target_semaphore(%arg9 : memref<!tpu.dma_semaphore, #tpu.memory_space<semaphore_mem>>)
    %dma_wait3A_29 = arith.constant 0 : i32
    %dma_wait3A_30 = tpu.memref_slice %arg2[%add3A_6, %dma_wait3A_29] : memref<16384x1024xf32, #tpu.memory_space<hbm>> -> memref<32x1024xf32, #tpu.memory_space<hbm>>
    %dma_wait3A_31 = arith.constant 0 : i32
    %dma_wait3A_32 = tpu.memref_slice %arg2[%add3A_6, %dma_wait3A_31] : memref<16384x1024xf32, #tpu.memory_space<hbm>> -> memref<32x1024xf32, #tpu.memory_space<hbm>>
    tpu.wait_dma2 semaphore(%arg8 : memref<!tpu.dma_semaphore, #tpu.memory_space<semaphore_mem>>) src(%dma_wait3A_32 : memref<32x1024xf32, #tpu.memory_space<hbm>>) dst(%arg5 : memref<32x1024xf32, #tpu.memory_space<vmem>>)
    %add3A_33 = arith.constant 32 : i32
    %add3A_34 = arith.addi %mul3A_2, %add3A_33 : i32
    %dma_start3A_35 = arith.constant 0 : i32
    %dma_start3A_36 = tpu.memref_slice %arg3[%add3A_34, %dma_start3A_35] : memref<16384x1024xf32, #tpu.memory_space<hbm>> -> memref<32x1024xf32, #tpu.memory_space<hbm>>
    %dma_start3A_37 = arith.constant 0 : i32
    %dma_start3A_38 = tpu.memref_slice %arg3[%add3A_34, %dma_start3A_37] : memref<16384x1024xf32, #tpu.memory_space<hbm>> -> memref<32x1024xf32, #tpu.memory_space<hbm>>
    tpu.enqueue_dma source(%arg5 : memref<32x1024xf32, #tpu.memory_space<vmem>>) target(%dma_start3A_38 : memref<32x1024xf32, #tpu.memory_space<hbm>>) target_semaphore(%arg11 : memref<!tpu.dma_semaphore, #tpu.memory_space<semaphore_mem>>)
    %dma_wait3A_39 = arith.constant 0 : i32
    %dma_wait3A_40 = tpu.memref_slice %arg3[%add3A_18, %dma_wait3A_39] : memref<16384x1024xf32, #tpu.memory_space<hbm>> -> memref<32x1024xf32, #tpu.memory_space<hbm>>
    %dma_wait3A_41 = arith.constant 0 : i32
    %dma_wait3A_42 = tpu.memref_slice %arg3[%add3A_18, %dma_wait3A_41] : memref<16384x1024xf32, #tpu.memory_space<hbm>> -> memref<32x1024xf32, #tpu.memory_space<hbm>>
    tpu.wait_dma2 semaphore(%arg10 : memref<!tpu.dma_semaphore, #tpu.memory_space<semaphore_mem>>) src(%arg4 : memref<32x1024xf32, #tpu.memory_space<vmem>>) dst(%dma_wait3A_42 : memref<32x1024xf32, #tpu.memory_space<hbm>>)
    %add3A_43 = arith.constant 96 : i32
    %add3A_44 = arith.addi %mul3A_2, %add3A_43 : i32
    %dma_start3A_45 = arith.constant 0 : i32
    %dma_start3A_46 = tpu.memref_slice %arg2[%add3A_44, %dma_start3A_45] : memref<16384x1024xf32, #tpu.memory_space<hbm>> -> memref<32x1024xf32, #tpu.memory_space<hbm>>
    %dma_start3A_47 = arith.constant 0 : i32
    %dma_start3A_48 = tpu.memref_slice %arg2[%add3A_44, %dma_start3A_47] : memref<16384x1024xf32, #tpu.memory_space<hbm>> -> memref<32x1024xf32, #tpu.memory_space<hbm>>
    tpu.enqueue_dma source(%dma_start3A_48 : memref<32x1024xf32, #tpu.memory_space<hbm>>) target(%arg4 : memref<32x1024xf32, #tpu.memory_space<vmem>>) target_semaphore(%arg7 : memref<!tpu.dma_semaphore, #tpu.memory_space<semaphore_mem>>)
    %dma_wait3A_49 = arith.constant 0 : i32
    %dma_wait3A_50 = tpu.memref_slice %arg2[%add3A_24, %dma_wait3A_49] : memref<16384x1024xf32, #tpu.memory_space<hbm>> -> memref<32x1024xf32, #tpu.memory_space<hbm>>
    %dma_wait3A_51 = arith.constant 0 : i32
    %dma_wait3A_52 = tpu.memref_slice %arg2[%add3A_24, %dma_wait3A_51] : memref<16384x1024xf32, #tpu.memory_space<hbm>> -> memref<32x1024xf32, #tpu.memory_space<hbm>>
    tpu.wait_dma2 semaphore(%arg9 : memref<!tpu.dma_semaphore, #tpu.memory_space<semaphore_mem>>) src(%dma_wait3A_52 : memref<32x1024xf32, #tpu.memory_space<hbm>>) dst(%arg6 : memref<32x1024xf32, #tpu.memory_space<vmem>>)
    %add3A_53 = arith.constant 64 : i32
    %add3A_54 = arith.addi %mul3A_2, %add3A_53 : i32
    %dma_start3A_55 = arith.constant 0 : i32
    %dma_start3A_56 = tpu.memref_slice %arg3[%add3A_54, %dma_start3A_55] : memref<16384x1024xf32, #tpu.memory_space<hbm>> -> memref<32x1024xf32, #tpu.memory_space<hbm>>
    %dma_start3A_57 = arith.constant 0 : i32
    %dma_start3A_58 = tpu.memref_slice %arg3[%add3A_54, %dma_start3A_57] : memref<16384x1024xf32, #tpu.memory_space<hbm>> -> memref<32x1024xf32, #tpu.memory_space<hbm>>
    tpu.enqueue_dma source(%arg6 : memref<32x1024xf32, #tpu.memory_space<vmem>>) target(%dma_start3A_58 : memref<32x1024xf32, #tpu.memory_space<hbm>>) target_semaphore(%arg12 : memref<!tpu.dma_semaphore, #tpu.memory_space<semaphore_mem>>)
    %dma_wait3A_59 = arith.constant 0 : i32
    %dma_wait3A_60 = tpu.memref_slice %arg3[%add3A_34, %dma_wait3A_59] : memref<16384x1024xf32, #tpu.memory_space<hbm>> -> memref<32x1024xf32, #tpu.memory_space<hbm>>
    %dma_wait3A_61 = arith.constant 0 : i32
    %dma_wait3A_62 = tpu.memref_slice %arg3[%add3A_34, %dma_wait3A_61] : memref<16384x1024xf32, #tpu.memory_space<hbm>> -> memref<32x1024xf32, #tpu.memory_space<hbm>>
    tpu.wait_dma2 semaphore(%arg11 : memref<!tpu.dma_semaphore, #tpu.memory_space<semaphore_mem>>) src(%arg5 : memref<32x1024xf32, #tpu.memory_space<vmem>>) dst(%dma_wait3A_62 : memref<32x1024xf32, #tpu.memory_space<hbm>>)
    %add3A_63 = arith.constant 128 : i32
    %add3A_64 = arith.addi %mul3A_2, %add3A_63 : i32
    %dma_start3A_65 = arith.constant 0 : i32
    %dma_start3A_66 = tpu.memref_slice %arg2[%add3A_64, %dma_start3A_65] : memref<16384x1024xf32, #tpu.memory_space<hbm>> -> memref<32x1024xf32, #tpu.memory_space<hbm>>
    %dma_start3A_67 = arith.constant 0 : i32
    %dma_start3A_68 = tpu.memref_slice %arg2[%add3A_64, %dma_start3A_67] : memref<16384x1024xf32, #tpu.memory_space<hbm>> -> memref<32x1024xf32, #tpu.memory_space<hbm>>
    tpu.enqueue_dma source(%dma_start3A_68 : memref<32x1024xf32, #tpu.memory_space<hbm>>) target(%arg5 : memref<32x1024xf32, #tpu.memory_space<vmem>>) target_semaphore(%arg8 : memref<!tpu.dma_semaphore, #tpu.memory_space<semaphore_mem>>)
    %dma_wait3A_69 = arith.constant 0 : i32
    %dma_wait3A_70 = tpu.memref_slice %arg2[%add3A_44, %dma_wait3A_69] : memref<16384x1024xf32, #tpu.memory_space<hbm>> -> memref<32x1024xf32, #tpu.memory_space<hbm>>
    %dma_wait3A_71 = arith.constant 0 : i32
    %dma_wait3A_72 = tpu.memref_slice %arg2[%add3A_44, %dma_wait3A_71] : memref<16384x1024xf32, #tpu.memory_space<hbm>> -> memref<32x1024xf32, #tpu.memory_space<hbm>>
    tpu.wait_dma2 semaphore(%arg7 : memref<!tpu.dma_semaphore, #tpu.memory_space<semaphore_mem>>) src(%dma_wait3A_72 : memref<32x1024xf32, #tpu.memory_space<hbm>>) dst(%arg4 : memref<32x1024xf32, #tpu.memory_space<vmem>>)
    %add3A_73 = arith.constant 96 : i32
    %add3A_74 = arith.addi %mul3A_2, %add3A_73 : i32
    %dma_start3A_75 = arith.constant 0 : i32
    %dma_start3A_76 = tpu.memref_slice %arg3[%add3A_74, %dma_start3A_75] : memref<16384x1024xf32, #tpu.memory_space<hbm>> -> memref<32x1024xf32, #tpu.memory_space<hbm>>
    %dma_start3A_77 = arith.constant 0 : i32
    %dma_start3A_78 = tpu.memref_slice %arg3[%add3A_74, %dma_start3A_77] : memref<16384x1024xf32, #tpu.memory_space<hbm>> -> memref<32x1024xf32, #tpu.memory_space<hbm>>
    tpu.enqueue_dma source(%arg4 : memref<32x1024xf32, #tpu.memory_space<vmem>>) target(%dma_start3A_78 : memref<32x1024xf32, #tpu.memory_space<hbm>>) target_semaphore(%arg10 : memref<!tpu.dma_semaphore, #tpu.memory_space<semaphore_mem>>)
    %dma_wait3A_79 = arith.constant 0 : i32
    %dma_wait3A_80 = tpu.memref_slice %arg3[%add3A_54, %dma_wait3A_79] : memref<16384x1024xf32, #tpu.memory_space<hbm>> -> memref<32x1024xf32, #tpu.memory_space<hbm>>
    %dma_wait3A_81 = arith.constant 0 : i32
    %dma_wait3A_82 = tpu.memref_slice %arg3[%add3A_54, %dma_wait3A_81] : memref<16384x1024xf32, #tpu.memory_space<hbm>> -> memref<32x1024xf32, #tpu.memory_space<hbm>>
    tpu.wait_dma2 semaphore(%arg12 : memref<!tpu.dma_semaphore, #tpu.memory_space<semaphore_mem>>) src(%arg6 : memref<32x1024xf32, #tpu.memory_space<vmem>>) dst(%dma_wait3A_82 : memref<32x1024xf32, #tpu.memory_space<hbm>>)
    %add3A_83 = arith.constant 160 : i32
    %add3A_84 = arith.addi %mul3A_2, %add3A_83 : i32
    %dma_start3A_85 = arith.constant 0 : i32
    %dma_start3A_86 = tpu.memref_slice %arg2[%add3A_84, %dma_start3A_85] : memref<16384x1024xf32, #tpu.memory_space<hbm>> -> memref<32x1024xf32, #tpu.memory_space<hbm>>
    %dma_start3A_87 = arith.constant 0 : i32
    %dma_start3A_88 = tpu.memref_slice %arg2[%add3A_84, %dma_start3A_87] : memref<16384x1024xf32, #tpu.memory_space<hbm>> -> memref<32x1024xf32, #tpu.memory_space<hbm>>
    tpu.enqueue_dma source(%dma_start3A_88 : memref<32x1024xf32, #tpu.memory_space<hbm>>) target(%arg6 : memref<32x1024xf32, #tpu.memory_space<vmem>>) target_semaphore(%arg9 : memref<!tpu.dma_semaphore, #tpu.memory_space<semaphore_mem>>)
    %dma_wait3A_89 = arith.constant 0 : i32
    %dma_wait3A_90 = tpu.memref_slice %arg2[%add3A_64, %dma_wait3A_89] : memref<16384x1024xf32, #tpu.memory_space<hbm>> -> memref<32x1024xf32, #tpu.memory_space<hbm>>
    %dma_wait3A_91 = arith.constant 0 : i32
    %dma_wait3A_92 = tpu.memref_slice %arg2[%add3A_64, %dma_wait3A_91] : memref<16384x1024xf32, #tpu.memory_space<hbm>> -> memref<32x1024xf32, #tpu.memory_space<hbm>>
    tpu.wait_dma2 semaphore(%arg8 : memref<!tpu.dma_semaphore, #tpu.memory_space<semaphore_mem>>) src(%dma_wait3A_92 : memref<32x1024xf32, #tpu.memory_space<hbm>>) dst(%arg5 : memref<32x1024xf32, #tpu.memory_space<vmem>>)
    %add3A_93 = arith.constant 128 : i32
    %add3A_94 = arith.addi %mul3A_2, %add3A_93 : i32
    %dma_start3A_95 = arith.constant 0 : i32
    %dma_start3A_96 = tpu.memref_slice %arg3[%add3A_94, %dma_start3A_95] : memref<16384x1024xf32, #tpu.memory_space<hbm>> -> memref<32x1024xf32, #tpu.memory_space<hbm>>
    %dma_start3A_97 = arith.constant 0 : i32
    %dma_start3A_98 = tpu.memref_slice %arg3[%add3A_94, %dma_start3A_97] : memref<16384x1024xf32, #tpu.memory_space<hbm>> -> memref<32x1024xf32, #tpu.memory_space<hbm>>
    tpu.enqueue_dma source(%arg5 : memref<32x1024xf32, #tpu.memory_space<vmem>>) target(%dma_start3A_98 : memref<32x1024xf32, #tpu.memory_space<hbm>>) target_semaphore(%arg11 : memref<!tpu.dma_semaphore, #tpu.memory_space<semaphore_mem>>)
    %dma_wait3A_99 = arith.constant 0 : i32
    %dma_wait3A_100 = tpu.memref_slice %arg3[%add3A_74, %dma_wait3A_99] : memref<16384x1024xf32, #tpu.memory_space<hbm>> -> memref<32x1024xf32, #tpu.memory_space<hbm>>
    %dma_wait3A_101 = arith.constant 0 : i32
    %dma_wait3A_102 = tpu.memref_slice %arg3[%add3A_74, %dma_wait3A_101] : memref<16384x1024xf32, #tpu.memory_space<hbm>> -> memref<32x1024xf32, #tpu.memory_space<hbm>>
    tpu.wait_dma2 semaphore(%arg10 : memref<!tpu.dma_semaphore, #tpu.memory_space<semaphore_mem>>) src(%arg4 : memref<32x1024xf32, #tpu.memory_space<vmem>>) dst(%dma_wait3A_102 : memref<32x1024xf32, #tpu.memory_space<hbm>>)
    %add3A_103 = arith.constant 192 : i32
    %add3A_104 = arith.addi %mul3A_2, %add3A_103 : i32
    %dma_start3A_105 = arith.constant 0 : i32
    %dma_start3A_106 = tpu.memref_slice %arg2[%add3A_104, %dma_start3A_105] : memref<16384x1024xf32, #tpu.memory_space<hbm>> -> memref<32x1024xf32, #tpu.memory_space<hbm>>
    %dma_start3A_107 = arith.constant 0 : i32
    %dma_start3A_108 = tpu.memref_slice %arg2[%add3A_104, %dma_start3A_107] : memref<16384x1024xf32, #tpu.memory_space<hbm>> -> memref<32x1024xf32, #tpu.memory_space<hbm>>
    tpu.enqueue_dma source(%dma_start3A_108 : memref<32x1024xf32, #tpu.memory_space<hbm>>) target(%arg4 : memref<32x1024xf32, #tpu.memory_space<vmem>>) target_semaphore(%arg7 : memref<!tpu.dma_semaphore, #tpu.memory_space<semaphore_mem>>)
    %dma_wait3A_109 = arith.constant 0 : i32
    %dma_wait3A_110 = tpu.memref_slice %arg2[%add3A_84, %dma_wait3A_109] : memref<16384x1024xf32, #tpu.memory_space<hbm>> -> memref<32x1024xf32, #tpu.memory_space<hbm>>
    %dma_wait3A_111 = arith.constant 0 : i32
    %dma_wait3A_112 = tpu.memref_slice %arg2[%add3A_84, %dma_wait3A_111] : memref<16384x1024xf32, #tpu.memory_space<hbm>> -> memref<32x1024xf32, #tpu.memory_space<hbm>>
    tpu.wait_dma2 semaphore(%arg9 : memref<!tpu.dma_semaphore, #tpu.memory_space<semaphore_mem>>) src(%dma_wait3A_112 : memref<32x1024xf32, #tpu.memory_space<hbm>>) dst(%arg6 : memref<32x1024xf32, #tpu.memory_space<vmem>>)
    %add3A_113 = arith.constant 160 : i32
    %add3A_114 = arith.addi %mul3A_2, %add3A_113 : i32
    %dma_start3A_115 = arith.constant 0 : i32
    %dma_start3A_116 = tpu.memref_slice %arg3[%add3A_114, %dma_start3A_115] : memref<16384x1024xf32, #tpu.memory_space<hbm>> -> memref<32x1024xf32, #tpu.memory_space<hbm>>
    %dma_start3A_117 = arith.constant 0 : i32
    %dma_start3A_118 = tpu.memref_slice %arg3[%add3A_114, %dma_start3A_117] : memref<16384x1024xf32, #tpu.memory_space<hbm>> -> memref<32x1024xf32, #tpu.memory_space<hbm>>
    tpu.enqueue_dma source(%arg6 : memref<32x1024xf32, #tpu.memory_space<vmem>>) target(%dma_start3A_118 : memref<32x1024xf32, #tpu.memory_space<hbm>>) target_semaphore(%arg12 : memref<!tpu.dma_semaphore, #tpu.memory_space<semaphore_mem>>)
    %dma_wait3A_119 = arith.constant 0 : i32
    %dma_wait3A_120 = tpu.memref_slice %arg3[%add3A_94, %dma_wait3A_119] : memref<16384x1024xf32, #tpu.memory_space<hbm>> -> memref<32x1024xf32, #tpu.memory_space<hbm>>
    %dma_wait3A_121 = arith.constant 0 : i32
    %dma_wait3A_122 = tpu.memref_slice %arg3[%add3A_94, %dma_wait3A_121] : memref<16384x1024xf32, #tpu.memory_space<hbm>> -> memref<32x1024xf32, #tpu.memory_space<hbm>>
    tpu.wait_dma2 semaphore(%arg11 : memref<!tpu.dma_semaphore, #tpu.memory_space<semaphore_mem>>) src(%arg5 : memref<32x1024xf32, #tpu.memory_space<vmem>>) dst(%dma_wait3A_122 : memref<32x1024xf32, #tpu.memory_space<hbm>>)
    %add3A_123 = arith.constant 224 : i32
    %add3A_124 = arith.addi %mul3A_2, %add3A_123 : i32
    %dma_start3A_125 = arith.constant 0 : i32
    %dma_start3A_126 = tpu.memref_slice %arg2[%add3A_124, %dma_start3A_125] : memref<16384x1024xf32, #tpu.memory_space<hbm>> -> memref<32x1024xf32, #tpu.memory_space<hbm>>
    %dma_start3A_127 = arith.constant 0 : i32
    %dma_start3A_128 = tpu.memref_slice %arg2[%add3A_124, %dma_start3A_127] : memref<16384x1024xf32, #tpu.memory_space<hbm>> -> memref<32x1024xf32, #tpu.memory_space<hbm>>
    tpu.enqueue_dma source(%dma_start3A_128 : memref<32x1024xf32, #tpu.memory_space<hbm>>) target(%arg5 : memref<32x1024xf32, #tpu.memory_space<vmem>>) target_semaphore(%arg8 : memref<!tpu.dma_semaphore, #tpu.memory_space<semaphore_mem>>)
    %dma_wait3A_129 = arith.constant 0 : i32
    %dma_wait3A_130 = tpu.memref_slice %arg2[%add3A_104, %dma_wait3A_129] : memref<16384x1024xf32, #tpu.memory_space<hbm>> -> memref<32x1024xf32, #tpu.memory_space<hbm>>
    %dma_wait3A_131 = arith.constant 0 : i32
    %dma_wait3A_132 = tpu.memref_slice %arg2[%add3A_104, %dma_wait3A_131] : memref<16384x1024xf32, #tpu.memory_space<hbm>> -> memref<32x1024xf32, #tpu.memory_space<hbm>>
    tpu.wait_dma2 semaphore(%arg7 : memref<!tpu.dma_semaphore, #tpu.memory_space<semaphore_mem>>) src(%dma_wait3A_132 : memref<32x1024xf32, #tpu.memory_space<hbm>>) dst(%arg4 : memref<32x1024xf32, #tpu.memory_space<vmem>>)
    %add3A_133 = arith.constant 192 : i32
    %add3A_134 = arith.addi %mul3A_2, %add3A_133 : i32
    %dma_start3A_135 = arith.constant 0 : i32
    %dma_start3A_136 = tpu.memref_slice %arg3[%add3A_134, %dma_start3A_135] : memref<16384x1024xf32, #tpu.memory_space<hbm>> -> memref<32x1024xf32, #tpu.memory_space<hbm>>
    %dma_start3A_137 = arith.constant 0 : i32
    %dma_start3A_138 = tpu.memref_slice %arg3[%add3A_134, %dma_start3A_137] : memref<16384x1024xf32, #tpu.memory_space<hbm>> -> memref<32x1024xf32, #tpu.memory_space<hbm>>
    tpu.enqueue_dma source(%arg4 : memref<32x1024xf32, #tpu.memory_space<vmem>>) target(%dma_start3A_138 : memref<32x1024xf32, #tpu.memory_space<hbm>>) target_semaphore(%arg10 : memref<!tpu.dma_semaphore, #tpu.memory_space<semaphore_mem>>)
    %dma_wait3A_139 = arith.constant 0 : i32
    %dma_wait3A_140 = tpu.memref_slice %arg3[%add3A_114, %dma_wait3A_139] : memref<16384x1024xf32, #tpu.memory_space<hbm>> -> memref<32x1024xf32, #tpu.memory_space<hbm>>
    %dma_wait3A_141 = arith.constant 0 : i32
    %dma_wait3A_142 = tpu.memref_slice %arg3[%add3A_114, %dma_wait3A_141] : memref<16384x1024xf32, #tpu.memory_space<hbm>> -> memref<32x1024xf32, #tpu.memory_space<hbm>>
    tpu.wait_dma2 semaphore(%arg12 : memref<!tpu.dma_semaphore, #tpu.memory_space<semaphore_mem>>) src(%arg6 : memref<32x1024xf32, #tpu.memory_space<vmem>>) dst(%dma_wait3A_142 : memref<32x1024xf32, #tpu.memory_space<hbm>>)
    %add3A_143 = arith.constant 256 : i32
    %add3A_144 = arith.addi %mul3A_2, %add3A_143 : i32
    %dma_start3A_145 = arith.constant 0 : i32
    %dma_start3A_146 = tpu.memref_slice %arg2[%add3A_144, %dma_start3A_145] : memref<16384x1024xf32, #tpu.memory_space<hbm>> -> memref<32x1024xf32, #tpu.memory_space<hbm>>
    %dma_start3A_147 = arith.constant 0 : i32
    %dma_start3A_148 = tpu.memref_slice %arg2[%add3A_144, %dma_start3A_147] : memref<16384x1024xf32, #tpu.memory_space<hbm>> -> memref<32x1024xf32, #tpu.memory_space<hbm>>
    tpu.enqueue_dma source(%dma_start3A_148 : memref<32x1024xf32, #tpu.memory_space<hbm>>) target(%arg6 : memref<32x1024xf32, #tpu.memory_space<vmem>>) target_semaphore(%arg9 : memref<!tpu.dma_semaphore, #tpu.memory_space<semaphore_mem>>)
    %dma_wait3A_149 = arith.constant 0 : i32
    %dma_wait3A_150 = tpu.memref_slice %arg2[%add3A_124, %dma_wait3A_149] : memref<16384x1024xf32, #tpu.memory_space<hbm>> -> memref<32x1024xf32, #tpu.memory_space<hbm>>
    %dma_wait3A_151 = arith.constant 0 : i32
    %dma_wait3A_152 = tpu.memref_slice %arg2[%add3A_124, %dma_wait3A_151] : memref<16384x1024xf32, #tpu.memory_space<hbm>> -> memref<32x1024xf32, #tpu.memory_space<hbm>>
    tpu.wait_dma2 semaphore(%arg8 : memref<!tpu.dma_semaphore, #tpu.memory_space<semaphore_mem>>) src(%dma_wait3A_152 : memref<32x1024xf32, #tpu.memory_space<hbm>>) dst(%arg5 : memref<32x1024xf32, #tpu.memory_space<vmem>>)
    %add3A_153 = arith.constant 224 : i32
    %add3A_154 = arith.addi %mul3A_2, %add3A_153 : i32
    %dma_start3A_155 = arith.constant 0 : i32
    %dma_start3A_156 = tpu.memref_slice %arg3[%add3A_154, %dma_start3A_155] : memref<16384x1024xf32, #tpu.memory_space<hbm>> -> memref<32x1024xf32, #tpu.memory_space<hbm>>
    %dma_start3A_157 = arith.constant 0 : i32
    %dma_start3A_158 = tpu.memref_slice %arg3[%add3A_154, %dma_start3A_157] : memref<16384x1024xf32, #tpu.memory_space<hbm>> -> memref<32x1024xf32, #tpu.memory_space<hbm>>
    tpu.enqueue_dma source(%arg5 : memref<32x1024xf32, #tpu.memory_space<vmem>>) target(%dma_start3A_158 : memref<32x1024xf32, #tpu.memory_space<hbm>>) target_semaphore(%arg11 : memref<!tpu.dma_semaphore, #tpu.memory_space<semaphore_mem>>)
    %dma_wait3A_159 = arith.constant 0 : i32
    %dma_wait3A_160 = tpu.memref_slice %arg3[%add3A_134, %dma_wait3A_159] : memref<16384x1024xf32, #tpu.memory_space<hbm>> -> memref<32x1024xf32, #tpu.memory_space<hbm>>
    %dma_wait3A_161 = arith.constant 0 : i32
    %dma_wait3A_162 = tpu.memref_slice %arg3[%add3A_134, %dma_wait3A_161] : memref<16384x1024xf32, #tpu.memory_space<hbm>> -> memref<32x1024xf32, #tpu.memory_space<hbm>>
    tpu.wait_dma2 semaphore(%arg10 : memref<!tpu.dma_semaphore, #tpu.memory_space<semaphore_mem>>) src(%arg4 : memref<32x1024xf32, #tpu.memory_space<vmem>>) dst(%dma_wait3A_162 : memref<32x1024xf32, #tpu.memory_space<hbm>>)
    %add3A_163 = arith.constant 288 : i32
    %add3A_164 = arith.addi %mul3A_2, %add3A_163 : i32
    %dma_start3A_165 = arith.constant 0 : i32
    %dma_start3A_166 = tpu.memref_slice %arg2[%add3A_164, %dma_start3A_165] : memref<16384x1024xf32, #tpu.memory_space<hbm>> -> memref<32x1024xf32, #tpu.memory_space<hbm>>
    %dma_start3A_167 = arith.constant 0 : i32
    %dma_start3A_168 = tpu.memref_slice %arg2[%add3A_164, %dma_start3A_167] : memref<16384x1024xf32, #tpu.memory_space<hbm>> -> memref<32x1024xf32, #tpu.memory_space<hbm>>
    tpu.enqueue_dma source(%dma_start3A_168 : memref<32x1024xf32, #tpu.memory_space<hbm>>) target(%arg4 : memref<32x1024xf32, #tpu.memory_space<vmem>>) target_semaphore(%arg7 : memref<!tpu.dma_semaphore, #tpu.memory_space<semaphore_mem>>)
    %dma_wait3A_169 = arith.constant 0 : i32
    %dma_wait3A_170 = tpu.memref_slice %arg2[%add3A_144, %dma_wait3A_169] : memref<16384x1024xf32, #tpu.memory_space<hbm>> -> memref<32x1024xf32, #tpu.memory_space<hbm>>
    %dma_wait3A_171 = arith.constant 0 : i32
    %dma_wait3A_172 = tpu.memref_slice %arg2[%add3A_144, %dma_wait3A_171] : memref<16384x1024xf32, #tpu.memory_space<hbm>> -> memref<32x1024xf32, #tpu.memory_space<hbm>>
    tpu.wait_dma2 semaphore(%arg9 : memref<!tpu.dma_semaphore, #tpu.memory_space<semaphore_mem>>) src(%dma_wait3A_172 : memref<32x1024xf32, #tpu.memory_space<hbm>>) dst(%arg6 : memref<32x1024xf32, #tpu.memory_space<vmem>>)
    %add3A_173 = arith.constant 256 : i32
    %add3A_174 = arith.addi %mul3A_2, %add3A_173 : i32
    %dma_start3A_175 = arith.constant 0 : i32
    %dma_start3A_176 = tpu.memref_slice %arg3[%add3A_174, %dma_start3A_175] : memref<16384x1024xf32, #tpu.memory_space<hbm>> -> memref<32x1024xf32, #tpu.memory_space<hbm>>
    %dma_start3A_177 = arith.constant 0 : i32
    %dma_start3A_178 = tpu.memref_slice %arg3[%add3A_174, %dma_start3A_177] : memref<16384x1024xf32, #tpu.memory_space<hbm>> -> memref<32x1024xf32, #tpu.memory_space<hbm>>
    tpu.enqueue_dma source(%arg6 : memref<32x1024xf32, #tpu.memory_space<vmem>>) target(%dma_start3A_178 : memref<32x1024xf32, #tpu.memory_space<hbm>>) target_semaphore(%arg12 : memref<!tpu.dma_semaphore, #tpu.memory_space<semaphore_mem>>)
    %dma_wait3A_179 = arith.constant 0 : i32
    %dma_wait3A_180 = tpu.memref_slice %arg3[%add3A_154, %dma_wait3A_179] : memref<16384x1024xf32, #tpu.memory_space<hbm>> -> memref<32x1024xf32, #tpu.memory_space<hbm>>
    %dma_wait3A_181 = arith.constant 0 : i32
    %dma_wait3A_182 = tpu.memref_slice %arg3[%add3A_154, %dma_wait3A_181] : memref<16384x1024xf32, #tpu.memory_space<hbm>> -> memref<32x1024xf32, #tpu.memory_space<hbm>>
    tpu.wait_dma2 semaphore(%arg11 : memref<!tpu.dma_semaphore, #tpu.memory_space<semaphore_mem>>) src(%arg5 : memref<32x1024xf32, #tpu.memory_space<vmem>>) dst(%dma_wait3A_182 : memref<32x1024xf32, #tpu.memory_space<hbm>>)
    %add3A_183 = arith.constant 320 : i32
    %add3A_184 = arith.addi %mul3A_2, %add3A_183 : i32
    %dma_start3A_185 = arith.constant 0 : i32
    %dma_start3A_186 = tpu.memref_slice %arg2[%add3A_184, %dma_start3A_185] : memref<16384x1024xf32, #tpu.memory_space<hbm>> -> memref<32x1024xf32, #tpu.memory_space<hbm>>
    %dma_start3A_187 = arith.constant 0 : i32
    %dma_start3A_188 = tpu.memref_slice %arg2[%add3A_184, %dma_start3A_187] : memref<16384x1024xf32, #tpu.memory_space<hbm>> -> memref<32x1024xf32, #tpu.memory_space<hbm>>
    tpu.enqueue_dma source(%dma_start3A_188 : memref<32x1024xf32, #tpu.memory_space<hbm>>) target(%arg5 : memref<32x1024xf32, #tpu.memory_space<vmem>>) target_semaphore(%arg8 : memref<!tpu.dma_semaphore, #tpu.memory_space<semaphore_mem>>)
    %dma_wait3A_189 = arith.constant 0 : i32
    %dma_wait3A_190 = tpu.memref_slice %arg2[%add3A_164, %dma_wait3A_189] : memref<16384x1024xf32, #tpu.memory_space<hbm>> -> memref<32x1024xf32, #tpu.memory_space<hbm>>
    %dma_wait3A_191 = arith.constant 0 : i32
    %dma_wait3A_192 = tpu.memref_slice %arg2[%add3A_164, %dma_wait3A_191] : memref<16384x1024xf32, #tpu.memory_space<hbm>> -> memref<32x1024xf32, #tpu.memory_space<hbm>>
    tpu.wait_dma2 semaphore(%arg7 : memref<!tpu.dma_semaphore, #tpu.memory_space<semaphore_mem>>) src(%dma_wait3A_192 : memref<32x1024xf32, #tpu.memory_space<hbm>>) dst(%arg4 : memref<32x1024xf32, #tpu.memory_space<vmem>>)
    %add3A_193 = arith.constant 288 : i32
    %add3A_194 = arith.addi %mul3A_2, %add3A_193 : i32
    %dma_start3A_195 = arith.constant 0 : i32
    %dma_start3A_196 = tpu.memref_slice %arg3[%add3A_194, %dma_start3A_195] : memref<16384x1024xf32, #tpu.memory_space<hbm>> -> memref<32x1024xf32, #tpu.memory_space<hbm>>
    %dma_start3A_197 = arith.constant 0 : i32
    %dma_start3A_198 = tpu.memref_slice %arg3[%add3A_194, %dma_start3A_197] : memref<16384x1024xf32, #tpu.memory_space<hbm>> -> memref<32x1024xf32, #tpu.memory_space<hbm>>
    tpu.enqueue_dma source(%arg4 : memref<32x1024xf32, #tpu.memory_space<vmem>>) target(%dma_start3A_198 : memref<32x1024xf32, #tpu.memory_space<hbm>>) target_semaphore(%arg10 : memref<!tpu.dma_semaphore, #tpu.memory_space<semaphore_mem>>)
    %dma_wait3A_199 = arith.constant 0 : i32
    %dma_wait3A_200 = tpu.memref_slice %arg3[%add3A_174, %dma_wait3A_199] : memref<16384x1024xf32, #tpu.memory_space<hbm>> -> memref<32x1024xf32, #tpu.memory_space<hbm>>
    %dma_wait3A_201 = arith.constant 0 : i32
    %dma_wait3A_202 = tpu.memref_slice %arg3[%add3A_174, %dma_wait3A_201] : memref<16384x1024xf32, #tpu.memory_space<hbm>> -> memref<32x1024xf32, #tpu.memory_space<hbm>>
    tpu.wait_dma2 semaphore(%arg12 : memref<!tpu.dma_semaphore, #tpu.memory_space<semaphore_mem>>) src(%arg6 : memref<32x1024xf32, #tpu.memory_space<vmem>>) dst(%dma_wait3A_202 : memref<32x1024xf32, #tpu.memory_space<hbm>>)
    %add3A_203 = arith.constant 352 : i32
    %add3A_204 = arith.addi %mul3A_2, %add3A_203 : i32
    %dma_start3A_205 = arith.constant 0 : i32
    %dma_start3A_206 = tpu.memref_slice %arg2[%add3A_204, %dma_start3A_205] : memref<16384x1024xf32, #tpu.memory_space<hbm>> -> memref<32x1024xf32, #tpu.memory_space<hbm>>
    %dma_start3A_207 = arith.constant 0 : i32
    %dma_start3A_208 = tpu.memref_slice %arg2[%add3A_204, %dma_start3A_207] : memref<16384x1024xf32, #tpu.memory_space<hbm>> -> memref<32x1024xf32, #tpu.memory_space<hbm>>
    tpu.enqueue_dma source(%dma_start3A_208 : memref<32x1024xf32, #tpu.memory_space<hbm>>) target(%arg6 : memref<32x1024xf32, #tpu.memory_space<vmem>>) target_semaphore(%arg9 : memref<!tpu.dma_semaphore, #tpu.memory_space<semaphore_mem>>)
    %dma_wait3A_209 = arith.constant 0 : i32
    %dma_wait3A_210 = tpu.memref_slice %arg2[%add3A_184, %dma_wait3A_209] : memref<16384x1024xf32, #tpu.memory_space<hbm>> -> memref<32x1024xf32, #tpu.memory_space<hbm>>
    %dma_wait3A_211 = arith.constant 0 : i32
    %dma_wait3A_212 = tpu.memref_slice %arg2[%add3A_184, %dma_wait3A_211] : memref<16384x1024xf32, #tpu.memory_space<hbm>> -> memref<32x1024xf32, #tpu.memory_space<hbm>>
    tpu.wait_dma2 semaphore(%arg8 : memref<!tpu.dma_semaphore, #tpu.memory_space<semaphore_mem>>) src(%dma_wait3A_212 : memref<32x1024xf32, #tpu.memory_space<hbm>>) dst(%arg5 : memref<32x1024xf32, #tpu.memory_space<vmem>>)
    %add3A_213 = arith.constant 320 : i32
    %add3A_214 = arith.addi %mul3A_2, %add3A_213 : i32
    %dma_start3A_215 = arith.constant 0 : i32
    %dma_start3A_216 = tpu.memref_slice %arg3[%add3A_214, %dma_start3A_215] : memref<16384x1024xf32, #tpu.memory_space<hbm>> -> memref<32x1024xf32, #tpu.memory_space<hbm>>
    %dma_start3A_217 = arith.constant 0 : i32
    %dma_start3A_218 = tpu.memref_slice %arg3[%add3A_214, %dma_start3A_217] : memref<16384x1024xf32, #tpu.memory_space<hbm>> -> memref<32x1024xf32, #tpu.memory_space<hbm>>
    tpu.enqueue_dma source(%arg5 : memref<32x1024xf32, #tpu.memory_space<vmem>>) target(%dma_start3A_218 : memref<32x1024xf32, #tpu.memory_space<hbm>>) target_semaphore(%arg11 : memref<!tpu.dma_semaphore, #tpu.memory_space<semaphore_mem>>)
    %dma_wait3A_219 = arith.constant 0 : i32
    %dma_wait3A_220 = tpu.memref_slice %arg3[%add3A_194, %dma_wait3A_219] : memref<16384x1024xf32, #tpu.memory_space<hbm>> -> memref<32x1024xf32, #tpu.memory_space<hbm>>
    %dma_wait3A_221 = arith.constant 0 : i32
    %dma_wait3A_222 = tpu.memref_slice %arg3[%add3A_194, %dma_wait3A_221] : memref<16384x1024xf32, #tpu.memory_space<hbm>> -> memref<32x1024xf32, #tpu.memory_space<hbm>>
    tpu.wait_dma2 semaphore(%arg10 : memref<!tpu.dma_semaphore, #tpu.memory_space<semaphore_mem>>) src(%arg4 : memref<32x1024xf32, #tpu.memory_space<vmem>>) dst(%dma_wait3A_222 : memref<32x1024xf32, #tpu.memory_space<hbm>>)
    %add3A_223 = arith.constant 384 : i32
    %add3A_224 = arith.addi %mul3A_2, %add3A_223 : i32
    %dma_start3A_225 = arith.constant 0 : i32
    %dma_start3A_226 = tpu.memref_slice %arg2[%add3A_224, %dma_start3A_225] : memref<16384x1024xf32, #tpu.memory_space<hbm>> -> memref<32x1024xf32, #tpu.memory_space<hbm>>
    %dma_start3A_227 = arith.constant 0 : i32
    %dma_start3A_228 = tpu.memref_slice %arg2[%add3A_224, %dma_start3A_227] : memref<16384x1024xf32, #tpu.memory_space<hbm>> -> memref<32x1024xf32, #tpu.memory_space<hbm>>
    tpu.enqueue_dma source(%dma_start3A_228 : memref<32x1024xf32, #tpu.memory_space<hbm>>) target(%arg4 : memref<32x1024xf32, #tpu.memory_space<vmem>>) target_semaphore(%arg7 : memref<!tpu.dma_semaphore, #tpu.memory_space<semaphore_mem>>)
    %dma_wait3A_229 = arith.constant 0 : i32
    %dma_wait3A_230 = tpu.memref_slice %arg2[%add3A_204, %dma_wait3A_229] : memref<16384x1024xf32, #tpu.memory_space<hbm>> -> memref<32x1024xf32, #tpu.memory_space<hbm>>
    %dma_wait3A_231 = arith.constant 0 : i32
    %dma_wait3A_232 = tpu.memref_slice %arg2[%add3A_204, %dma_wait3A_231] : memref<16384x1024xf32, #tpu.memory_space<hbm>> -> memref<32x1024xf32, #tpu.memory_space<hbm>>
    tpu.wait_dma2 semaphore(%arg9 : memref<!tpu.dma_semaphore, #tpu.memory_space<semaphore_mem>>) src(%dma_wait3A_232 : memref<32x1024xf32, #tpu.memory_space<hbm>>) dst(%arg6 : memref<32x1024xf32, #tpu.memory_space<vmem>>)
    %add3A_233 = arith.constant 352 : i32
    %add3A_234 = arith.addi %mul3A_2, %add3A_233 : i32
    %dma_start3A_235 = arith.constant 0 : i32
    %dma_start3A_236 = tpu.memref_slice %arg3[%add3A_234, %dma_start3A_235] : memref<16384x1024xf32, #tpu.memory_space<hbm>> -> memref<32x1024xf32, #tpu.memory_space<hbm>>
    %dma_start3A_237 = arith.constant 0 : i32
    %dma_start3A_238 = tpu.memref_slice %arg3[%add3A_234, %dma_start3A_237] : memref<16384x1024xf32, #tpu.memory_space<hbm>> -> memref<32x1024xf32, #tpu.memory_space<hbm>>
    tpu.enqueue_dma source(%arg6 : memref<32x1024xf32, #tpu.memory_space<vmem>>) target(%dma_start3A_238 : memref<32x1024xf32, #tpu.memory_space<hbm>>) target_semaphore(%arg12 : memref<!tpu.dma_semaphore, #tpu.memory_space<semaphore_mem>>)
    %dma_wait3A_239 = arith.constant 0 : i32
    %dma_wait3A_240 = tpu.memref_slice %arg3[%add3A_214, %dma_wait3A_239] : memref<16384x1024xf32, #tpu.memory_space<hbm>> -> memref<32x1024xf32, #tpu.memory_space<hbm>>
    %dma_wait3A_241 = arith.constant 0 : i32
    %dma_wait3A_242 = tpu.memref_slice %arg3[%add3A_214, %dma_wait3A_241] : memref<16384x1024xf32, #tpu.memory_space<hbm>> -> memref<32x1024xf32, #tpu.memory_space<hbm>>
    tpu.wait_dma2 semaphore(%arg11 : memref<!tpu.dma_semaphore, #tpu.memory_space<semaphore_mem>>) src(%arg5 : memref<32x1024xf32, #tpu.memory_space<vmem>>) dst(%dma_wait3A_242 : memref<32x1024xf32, #tpu.memory_space<hbm>>)
    %add3A_243 = arith.constant 416 : i32
    %add3A_244 = arith.addi %mul3A_2, %add3A_243 : i32
    %dma_start3A_245 = arith.constant 0 : i32
    %dma_start3A_246 = tpu.memref_slice %arg2[%add3A_244, %dma_start3A_245] : memref<16384x1024xf32, #tpu.memory_space<hbm>> -> memref<32x1024xf32, #tpu.memory_space<hbm>>
    %dma_start3A_247 = arith.constant 0 : i32
    %dma_start3A_248 = tpu.memref_slice %arg2[%add3A_244, %dma_start3A_247] : memref<16384x1024xf32, #tpu.memory_space<hbm>> -> memref<32x1024xf32, #tpu.memory_space<hbm>>
    tpu.enqueue_dma source(%dma_start3A_248 : memref<32x1024xf32, #tpu.memory_space<hbm>>) target(%arg5 : memref<32x1024xf32, #tpu.memory_space<vmem>>) target_semaphore(%arg8 : memref<!tpu.dma_semaphore, #tpu.memory_space<semaphore_mem>>)
    %dma_wait3A_249 = arith.constant 0 : i32
    %dma_wait3A_250 = tpu.memref_slice %arg2[%add3A_224, %dma_wait3A_249] : memref<16384x1024xf32, #tpu.memory_space<hbm>> -> memref<32x1024xf32, #tpu.memory_space<hbm>>
    %dma_wait3A_251 = arith.constant 0 : i32
    %dma_wait3A_252 = tpu.memref_slice %arg2[%add3A_224, %dma_wait3A_251] : memref<16384x1024xf32, #tpu.memory_space<hbm>> -> memref<32x1024xf32, #tpu.memory_space<hbm>>
    tpu.wait_dma2 semaphore(%arg7 : memref<!tpu.dma_semaphore, #tpu.memory_space<semaphore_mem>>) src(%dma_wait3A_252 : memref<32x1024xf32, #tpu.memory_space<hbm>>) dst(%arg4 : memref<32x1024xf32, #tpu.memory_space<vmem>>)
    %add3A_253 = arith.constant 384 : i32
    %add3A_254 = arith.addi %mul3A_2, %add3A_253 : i32
    %dma_start3A_255 = arith.constant 0 : i32
    %dma_start3A_256 = tpu.memref_slice %arg3[%add3A_254, %dma_start3A_255] : memref<16384x1024xf32, #tpu.memory_space<hbm>> -> memref<32x1024xf32, #tpu.memory_space<hbm>>
    %dma_start3A_257 = arith.constant 0 : i32
    %dma_start3A_258 = tpu.memref_slice %arg3[%add3A_254, %dma_start3A_257] : memref<16384x1024xf32, #tpu.memory_space<hbm>> -> memref<32x1024xf32, #tpu.memory_space<hbm>>
    tpu.enqueue_dma source(%arg4 : memref<32x1024xf32, #tpu.memory_space<vmem>>) target(%dma_start3A_258 : memref<32x1024xf32, #tpu.memory_space<hbm>>) target_semaphore(%arg10 : memref<!tpu.dma_semaphore, #tpu.memory_space<semaphore_mem>>)
    %dma_wait3A_259 = arith.constant 0 : i32
    %dma_wait3A_260 = tpu.memref_slice %arg3[%add3A_234, %dma_wait3A_259] : memref<16384x1024xf32, #tpu.memory_space<hbm>> -> memref<32x1024xf32, #tpu.memory_space<hbm>>
    %dma_wait3A_261 = arith.constant 0 : i32
    %dma_wait3A_262 = tpu.memref_slice %arg3[%add3A_234, %dma_wait3A_261] : memref<16384x1024xf32, #tpu.memory_space<hbm>> -> memref<32x1024xf32, #tpu.memory_space<hbm>>
    tpu.wait_dma2 semaphore(%arg12 : memref<!tpu.dma_semaphore, #tpu.memory_space<semaphore_mem>>) src(%arg6 : memref<32x1024xf32, #tpu.memory_space<vmem>>) dst(%dma_wait3A_262 : memref<32x1024xf32, #tpu.memory_space<hbm>>)
    %add3A_263 = arith.constant 448 : i32
    %add3A_264 = arith.addi %mul3A_2, %add3A_263 : i32
    %dma_start3A_265 = arith.constant 0 : i32
    %dma_start3A_266 = tpu.memref_slice %arg2[%add3A_264, %dma_start3A_265] : memref<16384x1024xf32, #tpu.memory_space<hbm>> -> memref<32x1024xf32, #tpu.memory_space<hbm>>
    %dma_start3A_267 = arith.constant 0 : i32
    %dma_start3A_268 = tpu.memref_slice %arg2[%add3A_264, %dma_start3A_267] : memref<16384x1024xf32, #tpu.memory_space<hbm>> -> memref<32x1024xf32, #tpu.memory_space<hbm>>
    tpu.enqueue_dma source(%dma_start3A_268 : memref<32x1024xf32, #tpu.memory_space<hbm>>) target(%arg6 : memref<32x1024xf32, #tpu.memory_space<vmem>>) target_semaphore(%arg9 : memref<!tpu.dma_semaphore, #tpu.memory_space<semaphore_mem>>)
    %dma_wait3A_269 = arith.constant 0 : i32
    %dma_wait3A_270 = tpu.memref_slice %arg2[%add3A_244, %dma_wait3A_269] : memref<16384x1024xf32, #tpu.memory_space<hbm>> -> memref<32x1024xf32, #tpu.memory_space<hbm>>
    %dma_wait3A_271 = arith.constant 0 : i32
    %dma_wait3A_272 = tpu.memref_slice %arg2[%add3A_244, %dma_wait3A_271] : memref<16384x1024xf32, #tpu.memory_space<hbm>> -> memref<32x1024xf32, #tpu.memory_space<hbm>>
    tpu.wait_dma2 semaphore(%arg8 : memref<!tpu.dma_semaphore, #tpu.memory_space<semaphore_mem>>) src(%dma_wait3A_272 : memref<32x1024xf32, #tpu.memory_space<hbm>>) dst(%arg5 : memref<32x1024xf32, #tpu.memory_space<vmem>>)
    %add3A_273 = arith.constant 416 : i32
    %add3A_274 = arith.addi %mul3A_2, %add3A_273 : i32
    %dma_start3A_275 = arith.constant 0 : i32
    %dma_start3A_276 = tpu.memref_slice %arg3[%add3A_274, %dma_start3A_275] : memref<16384x1024xf32, #tpu.memory_space<hbm>> -> memref<32x1024xf32, #tpu.memory_space<hbm>>
    %dma_start3A_277 = arith.constant 0 : i32
    %dma_start3A_278 = tpu.memref_slice %arg3[%add3A_274, %dma_start3A_277] : memref<16384x1024xf32, #tpu.memory_space<hbm>> -> memref<32x1024xf32, #tpu.memory_space<hbm>>
    tpu.enqueue_dma source(%arg5 : memref<32x1024xf32, #tpu.memory_space<vmem>>) target(%dma_start3A_278 : memref<32x1024xf32, #tpu.memory_space<hbm>>) target_semaphore(%arg11 : memref<!tpu.dma_semaphore, #tpu.memory_space<semaphore_mem>>)
    %dma_wait3A_279 = arith.constant 0 : i32
    %dma_wait3A_280 = tpu.memref_slice %arg3[%add3A_254, %dma_wait3A_279] : memref<16384x1024xf32, #tpu.memory_space<hbm>> -> memref<32x1024xf32, #tpu.memory_space<hbm>>
    %dma_wait3A_281 = arith.constant 0 : i32
    %dma_wait3A_282 = tpu.memref_slice %arg3[%add3A_254, %dma_wait3A_281] : memref<16384x1024xf32, #tpu.memory_space<hbm>> -> memref<32x1024xf32, #tpu.memory_space<hbm>>
    tpu.wait_dma2 semaphore(%arg10 : memref<!tpu.dma_semaphore, #tpu.memory_space<semaphore_mem>>) src(%arg4 : memref<32x1024xf32, #tpu.memory_space<vmem>>) dst(%dma_wait3A_282 : memref<32x1024xf32, #tpu.memory_space<hbm>>)
    %add3A_283 = arith.constant 480 : i32
    %add3A_284 = arith.addi %mul3A_2, %add3A_283 : i32
    %dma_start3A_285 = arith.constant 0 : i32
    %dma_start3A_286 = tpu.memref_slice %arg2[%add3A_284, %dma_start3A_285] : memref<16384x1024xf32, #tpu.memory_space<hbm>> -> memref<32x1024xf32, #tpu.memory_space<hbm>>
    %dma_start3A_287 = arith.constant 0 : i32
    %dma_start3A_288 = tpu.memref_slice %arg2[%add3A_284, %dma_start3A_287] : memref<16384x1024xf32, #tpu.memory_space<hbm>> -> memref<32x1024xf32, #tpu.memory_space<hbm>>
    tpu.enqueue_dma source(%dma_start3A_288 : memref<32x1024xf32, #tpu.memory_space<hbm>>) target(%arg4 : memref<32x1024xf32, #tpu.memory_space<vmem>>) target_semaphore(%arg7 : memref<!tpu.dma_semaphore, #tpu.memory_space<semaphore_mem>>)
    %dma_wait3A_289 = arith.constant 0 : i32
    %dma_wait3A_290 = tpu.memref_slice %arg2[%add3A_264, %dma_wait3A_289] : memref<16384x1024xf32, #tpu.memory_space<hbm>> -> memref<32x1024xf32, #tpu.memory_space<hbm>>
    %dma_wait3A_291 = arith.constant 0 : i32
    %dma_wait3A_292 = tpu.memref_slice %arg2[%add3A_264, %dma_wait3A_291] : memref<16384x1024xf32, #tpu.memory_space<hbm>> -> memref<32x1024xf32, #tpu.memory_space<hbm>>
    tpu.wait_dma2 semaphore(%arg9 : memref<!tpu.dma_semaphore, #tpu.memory_space<semaphore_mem>>) src(%dma_wait3A_292 : memref<32x1024xf32, #tpu.memory_space<hbm>>) dst(%arg6 : memref<32x1024xf32, #tpu.memory_space<vmem>>)
    %add3A_293 = arith.constant 448 : i32
    %add3A_294 = arith.addi %mul3A_2, %add3A_293 : i32
    %dma_start3A_295 = arith.constant 0 : i32
    %dma_start3A_296 = tpu.memref_slice %arg3[%add3A_294, %dma_start3A_295] : memref<16384x1024xf32, #tpu.memory_space<hbm>> -> memref<32x1024xf32, #tpu.memory_space<hbm>>
    %dma_start3A_297 = arith.constant 0 : i32
    %dma_start3A_298 = tpu.memref_slice %arg3[%add3A_294, %dma_start3A_297] : memref<16384x1024xf32, #tpu.memory_space<hbm>> -> memref<32x1024xf32, #tpu.memory_space<hbm>>
    tpu.enqueue_dma source(%arg6 : memref<32x1024xf32, #tpu.memory_space<vmem>>) target(%dma_start3A_298 : memref<32x1024xf32, #tpu.memory_space<hbm>>) target_semaphore(%arg12 : memref<!tpu.dma_semaphore, #tpu.memory_space<semaphore_mem>>)
    %dma_wait3A_299 = arith.constant 0 : i32
    %dma_wait3A_300 = tpu.memref_slice %arg2[%add3A_284, %dma_wait3A_299] : memref<16384x1024xf32, #tpu.memory_space<hbm>> -> memref<32x1024xf32, #tpu.memory_space<hbm>>
    %dma_wait3A_301 = arith.constant 0 : i32
    %dma_wait3A_302 = tpu.memref_slice %arg2[%add3A_284, %dma_wait3A_301] : memref<16384x1024xf32, #tpu.memory_space<hbm>> -> memref<32x1024xf32, #tpu.memory_space<hbm>>
    tpu.wait_dma2 semaphore(%arg7 : memref<!tpu.dma_semaphore, #tpu.memory_space<semaphore_mem>>) src(%dma_wait3A_302 : memref<32x1024xf32, #tpu.memory_space<hbm>>) dst(%arg4 : memref<32x1024xf32, #tpu.memory_space<vmem>>)
    %add3A_303 = arith.constant 480 : i32
    %add3A_304 = arith.addi %mul3A_2, %add3A_303 : i32
    %dma_start3A_305 = arith.constant 0 : i32
    %dma_start3A_306 = tpu.memref_slice %arg3[%add3A_304, %dma_start3A_305] : memref<16384x1024xf32, #tpu.memory_space<hbm>> -> memref<32x1024xf32, #tpu.memory_space<hbm>>
    %dma_start3A_307 = arith.constant 0 : i32
    %dma_start3A_308 = tpu.memref_slice %arg3[%add3A_304, %dma_start3A_307] : memref<16384x1024xf32, #tpu.memory_space<hbm>> -> memref<32x1024xf32, #tpu.memory_space<hbm>>
    tpu.enqueue_dma source(%arg4 : memref<32x1024xf32, #tpu.memory_space<vmem>>) target(%dma_start3A_308 : memref<32x1024xf32, #tpu.memory_space<hbm>>) target_semaphore(%arg10 : memref<!tpu.dma_semaphore, #tpu.memory_space<semaphore_mem>>)
    %dma_wait3A_309 = arith.constant 0 : i32
    %dma_wait3A_310 = tpu.memref_slice %arg3[%add3A_294, %dma_wait3A_309] : memref<16384x1024xf32, #tpu.memory_space<hbm>> -> memref<32x1024xf32, #tpu.memory_space<hbm>>
    %dma_wait3A_311 = arith.constant 0 : i32
    %dma_wait3A_312 = tpu.memref_slice %arg3[%add3A_294, %dma_wait3A_311] : memref<16384x1024xf32, #tpu.memory_space<hbm>> -> memref<32x1024xf32, #tpu.memory_space<hbm>>
    tpu.wait_dma2 semaphore(%arg12 : memref<!tpu.dma_semaphore, #tpu.memory_space<semaphore_mem>>) src(%arg6 : memref<32x1024xf32, #tpu.memory_space<vmem>>) dst(%dma_wait3A_312 : memref<32x1024xf32, #tpu.memory_space<hbm>>)
    %dma_wait3A_313 = arith.constant 0 : i32
    %dma_wait3A_314 = tpu.memref_slice %arg3[%add3A_304, %dma_wait3A_313] : memref<16384x1024xf32, #tpu.memory_space<hbm>> -> memref<32x1024xf32, #tpu.memory_space<hbm>>
    %dma_wait3A_315 = arith.constant 0 : i32
    %dma_wait3A_316 = tpu.memref_slice %arg3[%add3A_304, %dma_wait3A_315] : memref<16384x1024xf32, #tpu.memory_space<hbm>> -> memref<32x1024xf32, #tpu.memory_space<hbm>>
    tpu.wait_dma2 semaphore(%arg10 : memref<!tpu.dma_semaphore, #tpu.memory_space<semaphore_mem>>) src(%arg4 : memref<32x1024xf32, #tpu.memory_space<vmem>>) dst(%dma_wait3A_316 : memref<32x1024xf32, #tpu.memory_space<hbm>>)
    return
  }
}

</mosaic_0001>

<sc_bundles>
// kernel: kernel.3.cloned.1.call-start
scs
__scs_entry_jumppad:
0x0: {  	(pc) =	sbr.rel $0x88, $3  }
0x1: {  	(tag) =	ssettag $0x0;
	lr =	simm.s32 $0x1  }
0x2: {  	[smem:$0x3FA0] =	sst lr;
	_ =	strace $0xD0000000  }
0x3: {  	_ = 	snop  }
0x4: {  	_ = 	snop  }
0x5: {  	_ = 	snop  }
0x6: {  	_ = 	snop  }
0x7: {  	_ = 	snop  }
__scs_overlays_trampoline_lowered:
0x8: {  	[smem:$0x3FAF] =	sst s0  }
0x9: {  	[smem:$0x3FB0] =	sst s1  }
0xa: {  	[smem:$0x3FB1] =	sst s2  }
0xb: {  	[smem:$0x3FB2] =	sst s3  }
0xc: {  	[smem:$0x3FB3] =	sst s4  }
0xd: {  	[smem:$0x3FB4] =	sst s5  }
0xe: {  	[smem:$0x3FB5] =	sst s6  }
0xf: {  	[smem:$0x3FB6] =	sst s7  }
0x10: {  	[smem:$0x3FB7] =	sst s8  }
0x11: {  	[smem:$0x3FB8] =	sst s9;
	s0 =	simm.s32 @!p0 $0x0  }
0x12: {  	s1 =	sld [smem:$0x3F9E];
	s0 =	simm.s32 @p0 $0x1  }
0x13: {  	[smem:$0x3FB9] =	sst s0;
	s0 =	simm.s32 @!p1 $0x0  }
0x14: {  	s2 =	sld [smem:$0x3F9D];
	s0 =	simm.s32 @p1 $0x1  }
0x15: {  	[smem:$0x3FBA] =	sst s0;
	s0 =	simm.s32 @!p2 $0x0  }
0x16: {  	s3 =	sld [smem:$0x3FDB];
	s0 =	simm.s32 @p2 $0x1  }
0x17: {  	s4 =	simm.s32 $0x1BF5;
	[smem:$0x3FBC] =	sst s0  }
0x18: {  	s0 =	sld [smem:$0x3F9F];
	_ =	swait.ge [sflag:s4], $0x0  }
0x19: {  	s7 =	sld [smem:$0x3FA0]  }
0x1a: {  	s8 =	sadd.s32 $0xFFFFE003, lr  }
0x1b: {  	s9 =	sadd.s32 $0xFFFFFEF7, lr;
	s5 =	simm.s32 $0xFFFFFFFF;
	p2 =	slt.u32 s8, $0xFFFFF086  }
0x1c: {  	p1 =	slt.u32 s9, $0xF7A;
	s5 =	simm.s32 @!p2 $0x0  }
0x1d: {  	s5 =	simm.s32 @p1 $0x1;
	p0 =	seq.s32 s7, s2  }
0x1e: {  	s7 =	smul.u32 @!p0 $0xF7A, s2;
	p2 =	seq.s32 @!p0 s5, $0x0  }
0x1f: {  	s9 =	smul.u32 $0xF7A, s1;
	s8 =	simm.s32 @!p0 $0x1BF5;
	p2 =	por !p2, p0  }
0x20: {  	[sflag:s8] =	ssyncset.s32 @!p0 $0xFFFFF086;
	s6 =	sadd.s32 @!p0 s3, s7;
	s7 =	simm.s32 @!p0 $0x108  }
0x21: {  	s3 =	sadd.s32 s3, s9;
	s6 =	sadd.s32 @!p0 $0x88, s6;
	s7 =	simm.s32 @p2 $0x1082  }
0x22: {  	[simem:s7], [sflag:s8] =	dma.local @!p0 [hbm:s6], $0xF7A  }
0x23: {  	s9 =	sor.u32 $0xD0000000, s2;
	s6 =	simm.s32 $0x108;
	_ =	swait.ge @!p0 [sflag:s8], $0x0  }
0x24: {  	s3 =	sadd.s32 $0x88, s3;
	s6 =	simm.s32 @!p1 $0x1082;
	[sflag:s4] =	ssyncset.s32 $0xFFFFF086  }
0x25: {  	[simem:s6], [sflag:s4] =	dma.local [hbm:s3], $0xF7A  }
0x26: {  	[smem:$0x3FA0] =	sst s1;
	(tag) =	ssettag s2;
	_ =	strace s9  }
0x27: {  	s1 =	sld [smem:$0x3FB0]  }
0x28: {  	s2 =	sld [smem:$0x3FB1]  }
0x29: {  	s4 =	sld [smem:$0x3FB3]  }
0x2a: {  	p0 =	seq.s32 s5, $0x0;
	s5 =	sld [smem:$0x3FB4]  }
0x2b: {  	s6 =	sld [smem:$0x3FB5]  }
0x2c: {  	s7 =	sld [smem:$0x3FB6]  }
0x2d: {  	s3 =	simm.s32 $0x108;
	s8 =	sld [smem:$0x3FB7]  }
0x2e: {  	s3 =	simm.s32 @!p0 $0x1082;
	s9 =	sld [smem:$0x3FB8]  }
0x2f: {  	lr =	sadd.s32 s0, s3;
	s0 =	sld [smem:$0x3FAF]  }
0x30: {  	s3 =	sld [smem:$0x3FB2]  }
0x31: {  	[smem:$0x3FBB] =	sst s10  }
0x32: {  	s10 =	sld [smem:$0x3FB9];
	_ =	sdelay $0x3  }
0x33: {  	p0 =	seq.s32 s10, $0x1;
	s10 =	sld [smem:$0x3FBB];
	_ =	sdelay $0x3  }
0x34: {  	[smem:$0x3FBB] =	sst s10  }
0x35: {  	s10 =	sld [smem:$0x3FBA];
	_ =	sdelay $0x3  }
0x36: {  	p1 =	seq.s32 s10, $0x1;
	s10 =	sld [smem:$0x3FBB];
	_ =	sdelay $0x3  }
0x37: {  	[smem:$0x3FBB] =	sst s10  }
0x38: {  	s10 =	sld [smem:$0x3FBC]  }
0x39: {  	_ = 	snop;
	(pc) =	sbr.ind lr, $3  }
0x3a: {  	_ = 	snop  }
0x3b: {  	_ = 	snop  }
0x3c: {  	p2 =	seq.s32 s10, $0x1;
	s10 =	sld [smem:$0x3FBB]  }
0x3d: {  	_ =	shalt  }
0x3e: {  	_ =	shalt  }
0x3f: {  	_ =	shalt  }
0x40: {  	_ =	shalt  }
0x41: {  	_ =	shalt  }
0x42: {  	_ =	shalt  }
0x43: {  	_ =	shalt  }
0x44: {  	_ =	shalt  }
0x45: {  	_ =	shalt  }
0x46: {  	_ =	shalt  }
0x47: {  	_ =	shalt  }
0x48: {  	_ =	shalt  }
0x49: {  	_ =	shalt  }
0x4a: {  	_ =	shalt  }
0x4b: {  	_ =	shalt  }
0x4c: {  	_ =	shalt  }
0x4d: {  	_ =	shalt  }
0x4e: {  	_ =	shalt  }
0x4f: {  	_ =	shalt  }
0x50: {  	_ =	shalt  }
0x51: {  	_ =	shalt  }
0x52: {  	_ =	shalt  }
0x53: {  	_ =	shalt  }
0x54: {  	_ =	shalt  }
0x55: {  	_ =	shalt  }
0x56: {  	_ =	shalt  }
0x57: {  	_ =	shalt  }
0x58: {  	_ =	shalt  }
0x59: {  	_ =	shalt  }
0x5a: {  	_ =	shalt  }
0x5b: {  	_ =	shalt  }
0x5c: {  	_ =	shalt  }
0x5d: {  	_ =	shalt  }
0x5e: {  	_ =	shalt  }
0x5f: {  	_ =	shalt  }
0x60: {  	_ =	shalt  }
0x61: {  	_ =	shalt  }
0x62: {  	_ =	shalt  }
0x63: {  	_ =	shalt  }
0x64: {  	_ =	shalt  }
0x65: {  	_ =	shalt  }
0x66: {  	_ =	shalt  }
0x67: {  	_ =	shalt  }
0x68: {  	_ =	shalt  }
0x69: {  	_ =	shalt  }
0x6a: {  	_ =	shalt  }
0x6b: {  	_ =	shalt  }
0x6c: {  	_ =	shalt  }
0x6d: {  	_ =	shalt  }
0x6e: {  	_ =	shalt  }
0x6f: {  	_ =	shalt  }
0x70: {  	_ =	shalt  }
0x71: {  	_ =	shalt  }
0x72: {  	_ =	shalt  }
0x73: {  	_ =	shalt  }
0x74: {  	_ =	shalt  }
0x75: {  	_ =	shalt  }
0x76: {  	_ =	shalt  }
0x77: {  	_ =	shalt  }
0x78: {  	_ =	shalt  }
0x79: {  	_ =	shalt  }
0x7a: {  	_ =	shalt  }
0x7b: {  	_ =	shalt  }
0x7c: {  	_ =	shalt  }
0x7d: {  	_ =	shalt  }
0x7e: {  	_ =	shalt  }
0x7f: {  	_ =	shalt  }
0x80: {  	_ =	shalt  }
0x81: {  	_ =	shalt  }
0x82: {  	_ =	shalt  }
0x83: {  	_ =	shalt  }
0x84: {  	_ =	shalt  }
0x85: {  	_ =	shalt  }
0x86: {  	_ =	shalt  }
0x87: {  	_ =	shalt  }
.Lfunc_end0:
.L_simem_size_0:
called_computation_lowered:
.L_overlay_start_0:
0x88: {  	s2 =	sld [smem:$0x3FD9]  }
0x89: {  	s3 =	sld [smem:$0x3FFE];
	_ =	sdelay $0x1  }
0x8a: {  	s1 =	srdreg.scid  }
0x8b: {  	s0 =	sand.u32 $0x1, s1  }
0x8c: {  	s18 =	sshll.u32 s0, $0xA;
	s2 =	sadd.s32 s3, s2  }
0x8d: {  	s2 =	sadd.s32 s2, s18  }
0x8e: {  	[smem:$0x3FC7] =	sst s2  }
0x8f: {  	_ = 	snop  }
0x90: {  	s2 =	sld [smem:$0x3FC9]  }
0x91: {  	s19 =	sld [smem:$0x3FD0];
	(tm) =	ssettm $0x1  }
0x92: {  	s4 =	sld [smem:$0x3FFB];
	_ =	sdelay $0x3  }
0x93: {  	_ =	strace s4  }
0x94: {  	s4 =	sld [smem:$0x3FFC];
	_ =	sdelay $0x3  }
0x95: {  	_ =	strace s4  }
0x96: {  	s4 =	sld [smem:$0x3FFD];
	_ =	sdelay $0x3  }
0x97: {  	_ =	strace s4  }
0x98: {  	_ =	strace $0x8FFFFFFF  }
0x99: {  	s20 =	sld [smem:$0x3FDB];
	_ =	sdelay $0x1  }
0x9a: {  	s5 =	simm.s32 $_scs_section_size  }
0x9b: {  	s6 =	simm.s32 $_size__tile_overlayer_lowered;
	s7 =	simm.s32 $_tile_overlayer_lowered  }
0x9c: {  	s23 =	simm.s32 $0x1BFF;
	s22 =	sshll.u32 s7, $0x1;
	s4 =	sadd.s32 s5, s20  }
0x9d: {  	s8 =	simm.s32 $0x0;
	s21 =	sshll.u32 s6, $0x1;
	s6 =	sadd.s32 s22, s4  }
0x9e: {  	[timem:s8], [sflag:s23] =	dma.local [hbm:s6], s21  }
0x9f: {  	_ =	swait.ge [sflag:s23], s21  }
0xa0: {  	s5 =	ssub.s32 $0x0, s21;
	[sflag:s23] =	ssyncset.done $0x0  }
0xa1: {  	[sflag:s23] =	ssyncadd.s32 s5;
	_ =	sdelay $0x1  }
0xa2: {  	s24 =	simm.s32 $0x1B8B  }
0xa3: {  	_ =	swait.ge [sflag:s24], $0x1  }
0xa4: {  	[sflag:s24] =	ssyncset.done $0x0  }
0xa5: {  	s25 =	simm.s32 $0x1B8E;
	[sflag:s24] =	ssyncadd.s32 $0xFFFFFFFF  }
0xa6: {  	s26 =	simm.s32 $execute0_lowered;
	[smem:$0x3FD2] =	sst s25  }
0xa7: {  	s5 =	sshll.u32 s26, $0x1;
	_ =	strace $0x80000046;
	[dreg:$0x1] =	wrdreg $0xFFFFFFFF  }
0xa8: {  	s28 =	simm.s32 $_size_execute0_lowered;
	s4 =	sadd.s32 s4, s5;
	[dreg:$0x0] =	wrdreg $0x0  }
0xa9: {  	s5 =	sshll.u32 s28, $0x1;
	[dreg:$0x2] =	wrdreg s4  }
0xaa: {  	[dreg:$0x3] =	wrdreg s5  }
0xab: {  	[dreg:$0x4] =	wrdreg $0xC0  }
0xac: {  	_ =	task [dreg:s8], $0x5FFFF  }
0xad: {  	[dreg:$0x1] =	wrdreg $0xFFFFFFFF  }
0xae: {  	[dreg:$0x0] =	wrdreg $0x60  }
0xaf: {  	[dreg:$0x2] =	wrdreg s2  }
0xb0: {  	[dreg:$0x3] =	wrdreg s19  }
0xb1: {  	[dreg:$0x4] =	wrdreg $0x9  }
0xb2: {  	_ =	task.clear_ibuf [dreg:s8], $0x5FFFF;
	_ =	strace $0x90000046  }
0xb3: {  	s29 =	simm.s32 $0x9;
	_ =	strace $0x80000048  }
0xb4: {  	_ =	swait.ge [sflag:s29], $0x1  }
0xb5: {  	[sflag:s29] =	ssyncadd.s32 $0xFFFFFFFF  }
0xb6: {  	_ =	strace $0x90000048  }
0xb7: {  	_ =	sfence  }
0xb8: {  	s30 =	sld [smem:$0x0];
	_ =	sdelay $0x2  }
0xb9: {  	s31 =	sshll.u32 s1, $0xD;
	s1 =	sshrl.u32 s1, $0x2  }
0xba: {  	s3 =	sand.u32 $0x4000, s31;
	s1 =	sadd.s32 s1, s30  }
0xbb: {  	s0 =	sor.u32 s3, s0;
	s1 =	sshll.u32 s1, $0x11  }
0xbc: {  	s0 =	sor.u32 s1, s0  }
0xbd: {  	s0 =	sadd.s32 $0x8F2B, s0  }
0xbe: {  	[sflag:s0] =	ssyncadd.remote.s32 $0x1  }
0xbf: {  	_ =	sfence.sel $0xFFFF  }
0xc0: {  	[dreg:$0x0] =	wrdreg $0xFFFFFFFF;
	(pc) =	sbr.abs _section_cstart, $3  }
0xc1: {  	[dreg:$0x1] =	wrdreg $0xFFFFFFFF  }
0xc2: {  	_ =	task.clear_ibuf [dreg:s8], $0x2FFFF;
	_ =	strace $0x9FFFFFFF  }
0xc3: {  	(tm) =	ssettm $0x7FFFFFFF  }
tec
execute0_lowered:
.L_overlay_start_1:
0x0: {  	(tag) =	ssettag $0x1  }
0x1: {  	s29 =	rddreg [dreg:$0x0];
	s0 =	srdreg.scid  }
0x2: {  	s3 =	stileid.u32;
	s2 =	simm.s32 $0x0;
	s0 =	sand.u32 $0x1, s0  }
0x3: {  	s3 =	sshll.u32 s3, $0x11;
	[smem:$0x7FF] =	sst s2;
	s4 =	sshll.u32 s0, $0x10  }
0x4: {  	[dreg:$0x10] =	wrdreg s0;
	s30 =	sor.u32 s4, s3  }
0x5: {  	s1 =	rddreg [dreg:$0x1];
	_ =	strace $0x80000047;
	s3 =	sadd.s32 s29, s30  }
0x6: {  	s4 =	sor.u32 $0x1000, s30;
	s7 =	sadd.s32 s1, s30;
	[dreg:$0x3] =	wrdreg s3  }
0x7: {  	s5 =	sor.u32 $0x2000, s30;
	s6 =	sadd.s32 s29, s4;
	[dreg:$0x5] =	wrdreg s7  }
0x8: {  	s8 =	sadd.s32 s29, s5;
	[dreg:$0x4] =	wrdreg s6  }
0x9: {  	s10 =	sor.u32 $0x3000, s30;
	s9 =	sadd.s32 s1, s4;
	[dreg:$0x6] =	wrdreg s8  }
0xa: {  	s11 =	sadd.s32 s29, s10;
	[dreg:$0x7] =	wrdreg s9  }
0xb: {  	s13 =	sor.u32 $0x4000, s30;
	s12 =	sadd.s32 s1, s5;
	[dreg:$0x8] =	wrdreg s11  }
0xc: {  	s14 =	sadd.s32 s29, s13;
	[dreg:$0x9] =	wrdreg s12  }
0xd: {  	s15 =	sadd.s32 s1, s10;
	[dreg:$0xa] =	wrdreg s14  }
0xe: {  	[dreg:$0xb] =	wrdreg s15  }
0xf: {  	s17 =	sadd.s32 s1, s13;
	s18 =	rddreg [dreg:$0x3]  }
0x10: {  	s13 =	sor.u32 $0x6000, s30;
	[dreg:$0xd] =	wrdreg s17  }
0x11: {  	s11 =	sor.u32 $0x5000, s30;
	s19 =	sadd.s32 s29, s13;
	s20 =	rddreg [dreg:$0x4]  }
0x12: {  	[tilespmem:s2], [sflag:$0x1] =	stream.linear.gather [hbm4b:s18+s2], $0x8000, $0x38;
	[tilespmem:$0x18000] =	vst v63  }
0x13: {  	s16 =	sadd.s32 s29, s11;
	[dreg:$0xe] =	wrdreg s19  }
0x14: {  	s3 =	simm.s32 $0x8000;
	s4 =	simm.s32 $0x1;
	[dreg:$0xc] =	wrdreg s16  }
0x15: {  	[tilespmem:s3], [sflag:$0x2] =	stream.linear.gather [hbm4b:s20+s2], $0x8000, $0x38;
	[tilespmem:$0x18000] =	vst v63  }
0x16: {  	_ =	swait.ge [sflag:s4], $0x8000  }
0x17: {  	[sflag:s4] =	ssyncset.done $0x0  }
0x18: {  	s21 =	rddreg [dreg:$0x5];
	[sflag:s4] =	ssyncadd.s32 $0xFFFF8000  }
0x19: {  	[hbm4b:s21+s2] =	stream.linear.scatter [tilespmem:s2], [sflag:$0x4], $0x8000, $0x38;
	[tilespmem:$0x18000] =	vst v63  }
0x1a: {  	s5 =	simm.s32 $0x10000;
	s6 =	simm.s32 $0x2;
	s7 =	rddreg [dreg:$0x6]  }
0x1b: {  	[tilespmem:s5], [sflag:$0x3] =	stream.linear.gather [hbm4b:s7+s2], $0x8000, $0x38;
	[tilespmem:$0x18000] =	vst v63  }
0x1c: {  	_ =	swait.ge [sflag:s6], $0x8000  }
0x1d: {  	[sflag:s6] =	ssyncset.done $0x0  }
0x1e: {  	s7 =	simm.s32 $0x4;
	s8 =	rddreg [dreg:$0x7];
	[sflag:s6] =	ssyncadd.s32 $0xFFFF8000  }
0x1f: {  	[hbm4b:s8+s2] =	stream.linear.scatter [tilespmem:s3], [sflag:$0x5], $0x8000, $0x38;
	[tilespmem:$0x18000] =	vst v63  }
0x20: {  	_ =	swait.ge [sflag:s7], $0x8000  }
0x21: {  	[sflag:s7] =	ssyncset.done $0x0  }
0x22: {  	s8 =	simm.s32 $0x3;
	s9 =	rddreg [dreg:$0x8];
	[sflag:s7] =	ssyncadd.s32 $0xFFFF8000  }
0x23: {  	[tilespmem:s2], [sflag:$0x1] =	stream.linear.gather [hbm4b:s9+s2], $0x8000, $0x38;
	[tilespmem:$0x18000] =	vst v63  }
0x24: {  	_ =	swait.ge [sflag:s8], $0x8000  }
0x25: {  	[sflag:s8] =	ssyncset.done $0x0  }
0x26: {  	s9 =	simm.s32 $0x5;
	s10 =	rddreg [dreg:$0x9];
	[sflag:s8] =	ssyncadd.s32 $0xFFFF8000  }
0x27: {  	[hbm4b:s10+s2] =	stream.linear.scatter [tilespmem:s5], [sflag:$0x6], $0x8000, $0x38;
	[tilespmem:$0x18000] =	vst v63  }
0x28: {  	_ =	swait.ge [sflag:s9], $0x8000  }
0x29: {  	[sflag:s9] =	ssyncset.done $0x0  }
0x2a: {  	s22 =	rddreg [dreg:$0xa];
	[sflag:s9] =	ssyncadd.s32 $0xFFFF8000  }
0x2b: {  	[tilespmem:s3], [sflag:$0x2] =	stream.linear.gather [hbm4b:s22+s2], $0x8000, $0x38;
	[tilespmem:$0x18000] =	vst v63  }
0x2c: {  	_ =	swait.ge [sflag:s4], $0x8000  }
0x2d: {  	[sflag:s4] =	ssyncset.done $0x0  }
0x2e: {  	s10 =	simm.s32 $0x6;
	s12 =	rddreg [dreg:$0xb];
	[sflag:s4] =	ssyncadd.s32 $0xFFFF8000  }
0x2f: {  	[hbm4b:s12+s2] =	stream.linear.scatter [tilespmem:s2], [sflag:$0x4], $0x8000, $0x38;
	[tilespmem:$0x18000] =	vst v63  }
0x30: {  	_ =	swait.ge [sflag:s10], $0x8000  }
0x31: {  	[sflag:s10] =	ssyncset.done $0x0  }
0x32: {  	s23 =	rddreg [dreg:$0xc];
	[sflag:s10] =	ssyncadd.s32 $0xFFFF8000  }
0x33: {  	[tilespmem:s5], [sflag:$0x3] =	stream.linear.gather [hbm4b:s23+s2], $0x8000, $0x38;
	[tilespmem:$0x18000] =	vst v63  }
0x34: {  	_ =	swait.ge [sflag:s6], $0x8000  }
0x35: {  	[sflag:s6] =	ssyncset.done $0x0  }
0x36: {  	s24 =	rddreg [dreg:$0xd];
	[sflag:s6] =	ssyncadd.s32 $0xFFFF8000  }
0x37: {  	[hbm4b:s24+s2] =	stream.linear.scatter [tilespmem:s3], [sflag:$0x5], $0x8000, $0x38;
	[tilespmem:$0x18000] =	vst v63  }
0x38: {  	_ =	swait.ge [sflag:s7], $0x8000  }
0x39: {  	[sflag:s7] =	ssyncset.done $0x0  }
0x3a: {  	s25 =	rddreg [dreg:$0xe];
	[sflag:s7] =	ssyncadd.s32 $0xFFFF8000  }
0x3b: {  	[tilespmem:s2], [sflag:$0x1] =	stream.linear.gather [hbm4b:s25+s2], $0x8000, $0x38;
	[tilespmem:$0x18000] =	vst v63  }
0x3c: {  	_ =	swait.ge [sflag:s8], $0x8000  }
0x3d: {  	s26 =	sadd.s32 s1, s11;
	[sflag:s8] =	ssyncset.done $0x0  }
0x3e: {  	[dreg:$0xf] =	wrdreg s26;
	[sflag:s8] =	ssyncadd.s32 $0xFFFF8000  }
0x3f: {  	[hbm4b:s26+s2] =	stream.linear.scatter [tilespmem:s5], [sflag:$0x6], $0x8000, $0x38;
	[tilespmem:$0x18000] =	vst v63  }
0x40: {  	_ =	swait.ge [sflag:s9], $0x8000  }
0x41: {  	s15 =	sor.u32 $0x7000, s30;
	[sflag:s9] =	ssyncset.done $0x0  }
0x42: {  	s12 =	sadd.s32 s29, s15;
	[sflag:s9] =	ssyncadd.s32 $0xFFFF8000  }
0x43: {  	[tilespmem:s3], [sflag:$0x2] =	stream.linear.gather [hbm4b:s12+s2], $0x8000, $0x38;
	[tilespmem:$0x18000] =	vst v63  }
0x44: {  	_ =	swait.ge [sflag:s4], $0x8000  }
0x45: {  	[sflag:s4] =	ssyncset.done $0x0  }
0x46: {  	s13 =	sadd.s32 s1, s13;
	[sflag:s4] =	ssyncadd.s32 $0xFFFF8000  }
0x47: {  	[hbm4b:s13+s2] =	stream.linear.scatter [tilespmem:s2], [sflag:$0x4], $0x8000, $0x38;
	[tilespmem:$0x18000] =	vst v63  }
0x48: {  	_ =	swait.ge [sflag:s10], $0x8000  }
0x49: {  	s17 =	sor.u32 $0x8000, s30;
	[sflag:s10] =	ssyncset.done $0x0  }
0x4a: {  	s14 =	sadd.s32 s29, s17;
	[sflag:s10] =	ssyncadd.s32 $0xFFFF8000  }
0x4b: {  	[tilespmem:s5], [sflag:$0x3] =	stream.linear.gather [hbm4b:s14+s2], $0x8000, $0x38;
	[tilespmem:$0x18000] =	vst v63  }
0x4c: {  	_ =	swait.ge [sflag:s6], $0x8000  }
0x4d: {  	[sflag:s6] =	ssyncset.done $0x0  }
0x4e: {  	s15 =	sadd.s32 s1, s15;
	[sflag:s6] =	ssyncadd.s32 $0xFFFF8000  }
0x4f: {  	[hbm4b:s15+s2] =	stream.linear.scatter [tilespmem:s3], [sflag:$0x5], $0x8000, $0x38;
	[tilespmem:$0x18000] =	vst v63  }
0x50: {  	_ =	swait.ge [sflag:s7], $0x8000  }
0x51: {  	s19 =	sor.u32 $0x9000, s30;
	[sflag:s7] =	ssyncset.done $0x0  }
0x52: {  	s16 =	sadd.s32 s29, s19;
	[sflag:s7] =	ssyncadd.s32 $0xFFFF8000  }
0x53: {  	[tilespmem:s2], [sflag:$0x1] =	stream.linear.gather [hbm4b:s16+s2], $0x8000, $0x38;
	[tilespmem:$0x18000] =	vst v63  }
0x54: {  	_ =	swait.ge [sflag:s8], $0x8000  }
0x55: {  	[sflag:s8] =	ssyncset.done $0x0  }
0x56: {  	s17 =	sadd.s32 s1, s17;
	[sflag:s8] =	ssyncadd.s32 $0xFFFF8000  }
0x57: {  	[hbm4b:s17+s2] =	stream.linear.scatter [tilespmem:s5], [sflag:$0x6], $0x8000, $0x38;
	[tilespmem:$0x18000] =	vst v63  }
0x58: {  	_ =	swait.ge [sflag:s9], $0x8000  }
0x59: {  	s21 =	sor.u32 $0xA000, s30;
	[sflag:s9] =	ssyncset.done $0x0  }
0x5a: {  	s18 =	sadd.s32 s29, s21;
	[sflag:s9] =	ssyncadd.s32 $0xFFFF8000  }
0x5b: {  	[tilespmem:s3], [sflag:$0x2] =	stream.linear.gather [hbm4b:s18+s2], $0x8000, $0x38;
	[tilespmem:$0x18000] =	vst v63  }
0x5c: {  	_ =	swait.ge [sflag:s4], $0x8000  }
0x5d: {  	[sflag:s4] =	ssyncset.done $0x0  }
0x5e: {  	s19 =	sadd.s32 s1, s19;
	[sflag:s4] =	ssyncadd.s32 $0xFFFF8000  }
0x5f: {  	[hbm4b:s19+s2] =	stream.linear.scatter [tilespmem:s2], [sflag:$0x4], $0x8000, $0x38;
	[tilespmem:$0x18000] =	vst v63  }
0x60: {  	_ =	swait.ge [sflag:s10], $0x8000  }
0x61: {  	s23 =	sor.u32 $0xB000, s30;
	[sflag:s10] =	ssyncset.done $0x0  }
0x62: {  	s20 =	sadd.s32 s29, s23;
	[sflag:s10] =	ssyncadd.s32 $0xFFFF8000  }
0x63: {  	[tilespmem:s5], [sflag:$0x3] =	stream.linear.gather [hbm4b:s20+s2], $0x8000, $0x38;
	[tilespmem:$0x18000] =	vst v63  }
0x64: {  	_ =	swait.ge [sflag:s6], $0x8000  }
0x65: {  	[sflag:s6] =	ssyncset.done $0x0  }
0x66: {  	s21 =	sadd.s32 s1, s21;
	[sflag:s6] =	ssyncadd.s32 $0xFFFF8000  }
0x67: {  	[hbm4b:s21+s2] =	stream.linear.scatter [tilespmem:s3], [sflag:$0x5], $0x8000, $0x38;
	[tilespmem:$0x18000] =	vst v63  }
0x68: {  	_ =	swait.ge [sflag:s7], $0x8000  }
0x69: {  	s25 =	sor.u32 $0xC000, s30;
	[sflag:s7] =	ssyncset.done $0x0  }
0x6a: {  	s22 =	sadd.s32 s29, s25;
	[sflag:s7] =	ssyncadd.s32 $0xFFFF8000  }
0x6b: {  	[tilespmem:s2], [sflag:$0x1] =	stream.linear.gather [hbm4b:s22+s2], $0x8000, $0x38;
	[tilespmem:$0x18000] =	vst v63  }
0x6c: {  	_ =	swait.ge [sflag:s8], $0x8000  }
0x6d: {  	[sflag:s8] =	ssyncset.done $0x0  }
0x6e: {  	s23 =	sadd.s32 s1, s23;
	[sflag:s8] =	ssyncadd.s32 $0xFFFF8000  }
0x6f: {  	[hbm4b:s23+s2] =	stream.linear.scatter [tilespmem:s5], [sflag:$0x6], $0x8000, $0x38;
	[tilespmem:$0x18000] =	vst v63  }
0x70: {  	_ =	swait.ge [sflag:s9], $0x8000  }
0x71: {  	s28 =	sor.u32 $0xD000, s30;
	[sflag:s9] =	ssyncset.done $0x0  }
0x72: {  	s24 =	sadd.s32 s29, s28;
	[sflag:s9] =	ssyncadd.s32 $0xFFFF8000  }
0x73: {  	[tilespmem:s3], [sflag:$0x2] =	stream.linear.gather [hbm4b:s24+s2], $0x8000, $0x38;
	[tilespmem:$0x18000] =	vst v63  }
0x74: {  	_ =	swait.ge [sflag:s4], $0x8000  }
0x75: {  	[sflag:s4] =	ssyncset.done $0x0  }
0x76: {  	s25 =	sadd.s32 s1, s25;
	[sflag:s4] =	ssyncadd.s32 $0xFFFF8000  }
0x77: {  	[hbm4b:s25+s2] =	stream.linear.scatter [tilespmem:s2], [sflag:$0x4], $0x8000, $0x38;
	[tilespmem:$0x18000] =	vst v63  }
0x78: {  	_ =	swait.ge [sflag:s10], $0x8000  }
0x79: {  	s31 =	sor.u32 $0xE000, s30;
	[sflag:s10] =	ssyncset.done $0x0  }
0x7a: {  	s26 =	sadd.s32 s29, s31;
	[sflag:s10] =	ssyncadd.s32 $0xFFFF8000  }
0x7b: {  	[tilespmem:s5], [sflag:$0x3] =	stream.linear.gather [hbm4b:s26+s2], $0x8000, $0x38;
	[tilespmem:$0x18000] =	vst v63  }
0x7c: {  	_ =	swait.ge [sflag:s6], $0x8000  }
0x7d: {  	[sflag:s6] =	ssyncset.done $0x0  }
0x7e: {  	s28 =	sadd.s32 s1, s28;
	[sflag:s6] =	ssyncadd.s32 $0xFFFF8000  }
0x7f: {  	[hbm4b:s28+s2] =	stream.linear.scatter [tilespmem:s3], [sflag:$0x5], $0x8000, $0x38;
	[tilespmem:$0x18000] =	vst v63  }
0x80: {  	_ =	swait.ge [sflag:s7], $0x8000  }
0x81: {  	s11 =	sor.u32 $0xF000, s30;
	[sflag:s7] =	ssyncset.done $0x0  }
0x82: {  	s29 =	sadd.s32 s29, s11;
	[sflag:s7] =	ssyncadd.s32 $0xFFFF8000  }
0x83: {  	[tilespmem:s2], [sflag:$0x1] =	stream.linear.gather [hbm4b:s29+s2], $0x8000, $0x38;
	[tilespmem:$0x18000] =	vst v63  }
0x84: {  	_ =	swait.ge [sflag:s8], $0x8000  }
0x85: {  	[sflag:s8] =	ssyncset.done $0x0  }
0x86: {  	s30 =	sadd.s32 s1, s31;
	[sflag:s8] =	ssyncadd.s32 $0xFFFF8000  }
0x87: {  	[hbm4b:s30+s2] =	stream.linear.scatter [tilespmem:s5], [sflag:$0x6], $0x8000, $0x38;
	[tilespmem:$0x18000] =	vst v63  }
0x88: {  	_ =	swait.ge [sflag:s4], $0x8000  }
0x89: {  	s31 =	sadd.s32 s1, s11;
	[sflag:s4] =	ssyncset.done $0x0;
	s1 =	rddreg [dreg:$0x10]  }
0x8a: {  	s0 =	ssub.s32 $0x2, s1;
	[sflag:s4] =	ssyncadd.s32 $0xFFFF8000  }
0x8b: {  	[hbm4b:s31+s2] =	stream.linear.scatter [tilespmem:s2], [sflag:$0x4], $0x8000, $0x38;
	[tilespmem:$0x18000] =	vst v63  }
0x8c: {  	s11 =	sshrl.u32 s0, $0x1  }
0x8d: {  	s0 =	ssub.s32 s0, s11  }
0x8e: {  	s0 =	smax.u32 s0, $0x1  }
0x8f: {  	p0 =	sne.s32 s0, $0x1  }
.Ltmp0:
0x90: {  	_ =	swait.ge [sflag:s10], $0x8000;
	(pc) =	sbr.rel @!p0 .LBB2_2-.Ltmp0, $4  }
0x91: {  	[sflag:s10] =	ssyncset.done $0x0  }
0x92: {  	[sflag:s10] =	ssyncadd.s32 $0xFFFF8000  }
0x93: {  	_ =	swait.ge [sflag:s7], $0x8000  }
0x94: {  	s0 =	sadd.s32 $0xFFFFFFFF, s0;
	[sflag:s7] =	ssyncset.done $0x0  }
.LBB2_1:
0x95: {  	s1 =	rddreg [dreg:$0x3];
	[sflag:s7] =	ssyncadd.s32 $0xFFFF8000  }
0x96: {  	[tilespmem:s2], [sflag:$0x1] =	stream.linear.gather [hbm4b:s1+s2], $0x8000, $0x38;
	[tilespmem:$0x18000] =	vst v63  }
0x97: {  	s11 =	rddreg [dreg:$0x4]  }
0x98: {  	[tilespmem:s3], [sflag:$0x2] =	stream.linear.gather [hbm4b:s11+s2], $0x8000, $0x38;
	[tilespmem:$0x18000] =	vst v63  }
0x99: {  	_ =	swait.ge [sflag:s4], $0x8000  }
0x9a: {  	[sflag:s4] =	ssyncset.done $0x0  }
0x9b: {  	s1 =	rddreg [dreg:$0x5];
	[sflag:s4] =	ssyncadd.s32 $0xFFFF8000  }
0x9c: {  	[hbm4b:s1+s2] =	stream.linear.scatter [tilespmem:s2], [sflag:$0x4], $0x8000, $0x38;
	[tilespmem:$0x18000] =	vst v63  }
0x9d: {  	s11 =	rddreg [dreg:$0x6]  }
0x9e: {  	[tilespmem:s5], [sflag:$0x3] =	stream.linear.gather [hbm4b:s11+s2], $0x8000, $0x38;
	[tilespmem:$0x18000] =	vst v63  }
0x9f: {  	_ =	swait.ge [sflag:s6], $0x8000  }
0xa0: {  	[sflag:s6] =	ssyncset.done $0x0  }
0xa1: {  	s11 =	rddreg [dreg:$0x7];
	[sflag:s6] =	ssyncadd.s32 $0xFFFF8000  }
0xa2: {  	[hbm4b:s11+s2] =	stream.linear.scatter [tilespmem:s3], [sflag:$0x5], $0x8000, $0x38;
	[tilespmem:$0x18000] =	vst v63  }
0xa3: {  	_ =	swait.ge [sflag:s7], $0x8000  }
0xa4: {  	[sflag:s7] =	ssyncset.done $0x0  }
0xa5: {  	s11 =	rddreg [dreg:$0x8];
	[sflag:s7] =	ssyncadd.s32 $0xFFFF8000  }
0xa6: {  	[tilespmem:s2], [sflag:$0x1] =	stream.linear.gather [hbm4b:s11+s2], $0x8000, $0x38;
	[tilespmem:$0x18000] =	vst v63  }
0xa7: {  	_ =	swait.ge [sflag:s8], $0x8000  }
0xa8: {  	[sflag:s8] =	ssyncset.done $0x0  }
0xa9: {  	s11 =	rddreg [dreg:$0x9];
	[sflag:s8] =	ssyncadd.s32 $0xFFFF8000  }
0xaa: {  	[hbm4b:s11+s2] =	stream.linear.scatter [tilespmem:s5], [sflag:$0x6], $0x8000, $0x38;
	[tilespmem:$0x18000] =	vst v63  }
0xab: {  	_ =	swait.ge [sflag:s9], $0x8000  }
0xac: {  	[sflag:s9] =	ssyncset.done $0x0  }
0xad: {  	s11 =	rddreg [dreg:$0xa];
	[sflag:s9] =	ssyncadd.s32 $0xFFFF8000  }
0xae: {  	[tilespmem:s3], [sflag:$0x2] =	stream.linear.gather [hbm4b:s11+s2], $0x8000, $0x38;
	[tilespmem:$0x18000] =	vst v63  }
0xaf: {  	_ =	swait.ge [sflag:s4], $0x8000  }
0xb0: {  	[sflag:s4] =	ssyncset.done $0x0  }
0xb1: {  	s11 =	rddreg [dreg:$0xb];
	[sflag:s4] =	ssyncadd.s32 $0xFFFF8000  }
0xb2: {  	[hbm4b:s11+s2] =	stream.linear.scatter [tilespmem:s2], [sflag:$0x4], $0x8000, $0x38;
	[tilespmem:$0x18000] =	vst v63  }
0xb3: {  	_ =	swait.ge [sflag:s10], $0x8000  }
0xb4: {  	[sflag:s10] =	ssyncset.done $0x0  }
0xb5: {  	s11 =	rddreg [dreg:$0xc];
	[sflag:s10] =	ssyncadd.s32 $0xFFFF8000  }
0xb6: {  	[tilespmem:s5], [sflag:$0x3] =	stream.linear.gather [hbm4b:s11+s2], $0x8000, $0x38;
	[tilespmem:$0x18000] =	vst v63  }
0xb7: {  	_ =	swait.ge [sflag:s6], $0x8000  }
0xb8: {  	[sflag:s6] =	ssyncset.done $0x0  }
0xb9: {  	s11 =	rddreg [dreg:$0xd];
	[sflag:s6] =	ssyncadd.s32 $0xFFFF8000  }
0xba: {  	[hbm4b:s11+s2] =	stream.linear.scatter [tilespmem:s3], [sflag:$0x5], $0x8000, $0x38;
	[tilespmem:$0x18000] =	vst v63  }
0xbb: {  	_ =	swait.ge [sflag:s7], $0x8000  }
0xbc: {  	[sflag:s7] =	ssyncset.done $0x0  }
0xbd: {  	s11 =	rddreg [dreg:$0xe];
	[sflag:s7] =	ssyncadd.s32 $0xFFFF8000  }
0xbe: {  	[tilespmem:s2], [sflag:$0x1] =	stream.linear.gather [hbm4b:s11+s2], $0x8000, $0x38;
	[tilespmem:$0x18000] =	vst v63  }
0xbf: {  	_ =	swait.ge [sflag:s8], $0x8000  }
0xc0: {  	[sflag:s8] =	ssyncset.done $0x0  }
0xc1: {  	s11 =	rddreg [dreg:$0xf];
	[sflag:s8] =	ssyncadd.s32 $0xFFFF8000  }
0xc2: {  	[hbm4b:s11+s2] =	stream.linear.scatter [tilespmem:s5], [sflag:$0x6], $0x8000, $0x38;
	[tilespmem:$0x18000] =	vst v63  }
0xc3: {  	_ =	swait.ge [sflag:s9], $0x8000  }
0xc4: {  	[sflag:s9] =	ssyncset.done $0x0  }
0xc5: {  	[sflag:s9] =	ssyncadd.s32 $0xFFFF8000  }
0xc6: {  	[tilespmem:s3], [sflag:$0x2] =	stream.linear.gather [hbm4b:s12+s2], $0x8000, $0x38;
	[tilespmem:$0x18000] =	vst v63  }
0xc7: {  	_ =	swait.ge [sflag:s4], $0x8000  }
0xc8: {  	[sflag:s4] =	ssyncset.done $0x0  }
0xc9: {  	[sflag:s4] =	ssyncadd.s32 $0xFFFF8000  }
0xca: {  	[hbm4b:s13+s2] =	stream.linear.scatter [tilespmem:s2], [sflag:$0x4], $0x8000, $0x38;
	[tilespmem:$0x18000] =	vst v63  }
0xcb: {  	_ =	swait.ge [sflag:s10], $0x8000  }
0xcc: {  	[sflag:s10] =	ssyncset.done $0x0  }
0xcd: {  	[sflag:s10] =	ssyncadd.s32 $0xFFFF8000  }
0xce: {  	[tilespmem:s5], [sflag:$0x3] =	stream.linear.gather [hbm4b:s14+s2], $0x8000, $0x38;
	[tilespmem:$0x18000] =	vst v63  }
0xcf: {  	_ =	swait.ge [sflag:s6], $0x8000  }
0xd0: {  	[sflag:s6] =	ssyncset.done $0x0  }
0xd1: {  	[sflag:s6] =	ssyncadd.s32 $0xFFFF8000  }
0xd2: {  	[hbm4b:s15+s2] =	stream.linear.scatter [tilespmem:s3], [sflag:$0x5], $0x8000, $0x38;
	[tilespmem:$0x18000] =	vst v63  }
0xd3: {  	_ =	swait.ge [sflag:s7], $0x8000  }
0xd4: {  	[sflag:s7] =	ssyncset.done $0x0  }
0xd5: {  	[sflag:s7] =	ssyncadd.s32 $0xFFFF8000  }
0xd6: {  	[tilespmem:s2], [sflag:$0x1] =	stream.linear.gather [hbm4b:s16+s2], $0x8000, $0x38;
	[tilespmem:$0x18000] =	vst v63  }
0xd7: {  	_ =	swait.ge [sflag:s8], $0x8000  }
0xd8: {  	[sflag:s8] =	ssyncset.done $0x0  }
0xd9: {  	[sflag:s8] =	ssyncadd.s32 $0xFFFF8000  }
0xda: {  	[hbm4b:s17+s2] =	stream.linear.scatter [tilespmem:s5], [sflag:$0x6], $0x8000, $0x38;
	[tilespmem:$0x18000] =	vst v63  }
0xdb: {  	_ =	swait.ge [sflag:s9], $0x8000  }
0xdc: {  	[sflag:s9] =	ssyncset.done $0x0  }
0xdd: {  	[sflag:s9] =	ssyncadd.s32 $0xFFFF8000  }
0xde: {  	[tilespmem:s3], [sflag:$0x2] =	stream.linear.gather [hbm4b:s18+s2], $0x8000, $0x38;
	[tilespmem:$0x18000] =	vst v63  }
0xdf: {  	_ =	swait.ge [sflag:s4], $0x8000  }
0xe0: {  	[sflag:s4] =	ssyncset.done $0x0  }
0xe1: {  	[sflag:s4] =	ssyncadd.s32 $0xFFFF8000  }
0xe2: {  	[hbm4b:s19+s2] =	stream.linear.scatter [tilespmem:s2], [sflag:$0x4], $0x8000, $0x38;
	[tilespmem:$0x18000] =	vst v63  }
0xe3: {  	_ =	swait.ge [sflag:s10], $0x8000  }
0xe4: {  	[sflag:s10] =	ssyncset.done $0x0  }
0xe5: {  	[sflag:s10] =	ssyncadd.s32 $0xFFFF8000  }
0xe6: {  	[tilespmem:s5], [sflag:$0x3] =	stream.linear.gather [hbm4b:s20+s2], $0x8000, $0x38;
	[tilespmem:$0x18000] =	vst v63  }
0xe7: {  	_ =	swait.ge [sflag:s6], $0x8000  }
0xe8: {  	[sflag:s6] =	ssyncset.done $0x0  }
0xe9: {  	[sflag:s6] =	ssyncadd.s32 $0xFFFF8000  }
0xea: {  	[hbm4b:s21+s2] =	stream.linear.scatter [tilespmem:s3], [sflag:$0x5], $0x8000, $0x38;
	[tilespmem:$0x18000] =	vst v63  }
0xeb: {  	_ =	swait.ge [sflag:s7], $0x8000  }
0xec: {  	[sflag:s7] =	ssyncset.done $0x0  }
0xed: {  	[sflag:s7] =	ssyncadd.s32 $0xFFFF8000  }
0xee: {  	[tilespmem:s2], [sflag:$0x1] =	stream.linear.gather [hbm4b:s22+s2], $0x8000, $0x38;
	[tilespmem:$0x18000] =	vst v63  }
0xef: {  	_ =	swait.ge [sflag:s8], $0x8000  }
0xf0: {  	[sflag:s8] =	ssyncset.done $0x0  }
0xf1: {  	[sflag:s8] =	ssyncadd.s32 $0xFFFF8000  }
0xf2: {  	[hbm4b:s23+s2] =	stream.linear.scatter [tilespmem:s5], [sflag:$0x6], $0x8000, $0x38;
	[tilespmem:$0x18000] =	vst v63  }
0xf3: {  	_ =	swait.ge [sflag:s9], $0x8000  }
0xf4: {  	[sflag:s9] =	ssyncset.done $0x0  }
0xf5: {  	[sflag:s9] =	ssyncadd.s32 $0xFFFF8000  }
0xf6: {  	[tilespmem:s3], [sflag:$0x2] =	stream.linear.gather [hbm4b:s24+s2], $0x8000, $0x38;
	[tilespmem:$0x18000] =	vst v63  }
0xf7: {  	_ =	swait.ge [sflag:s4], $0x8000  }
0xf8: {  	[sflag:s4] =	ssyncset.done $0x0  }
0xf9: {  	[sflag:s4] =	ssyncadd.s32 $0xFFFF8000  }
0xfa: {  	[hbm4b:s25+s2] =	stream.linear.scatter [tilespmem:s2], [sflag:$0x4], $0x8000, $0x38;
	[tilespmem:$0x18000] =	vst v63  }
0xfb: {  	_ =	swait.ge [sflag:s10], $0x8000  }
0xfc: {  	[sflag:s10] =	ssyncset.done $0x0  }
0xfd: {  	[sflag:s10] =	ssyncadd.s32 $0xFFFF8000  }
0xfe: {  	[tilespmem:s5], [sflag:$0x3] =	stream.linear.gather [hbm4b:s26+s2], $0x8000, $0x38;
	[tilespmem:$0x18000] =	vst v63  }
0xff: {  	_ =	swait.ge [sflag:s6], $0x8000  }
0x100: {  	[sflag:s6] =	ssyncset.done $0x0  }
0x101: {  	[sflag:s6] =	ssyncadd.s32 $0xFFFF8000  }
0x102: {  	[hbm4b:s28+s2] =	stream.linear.scatter [tilespmem:s3], [sflag:$0x5], $0x8000, $0x38;
	[tilespmem:$0x18000] =	vst v63  }
0x103: {  	_ =	swait.ge [sflag:s7], $0x8000  }
0x104: {  	[sflag:s7] =	ssyncset.done $0x0  }
0x105: {  	[sflag:s7] =	ssyncadd.s32 $0xFFFF8000  }
0x106: {  	[tilespmem:s2], [sflag:$0x1] =	stream.linear.gather [hbm4b:s29+s2], $0x8000, $0x38;
	[tilespmem:$0x18000] =	vst v63  }
0x107: {  	_ =	swait.ge [sflag:s8], $0x8000  }
0x108: {  	[sflag:s8] =	ssyncset.done $0x0  }
0x109: {  	[sflag:s8] =	ssyncadd.s32 $0xFFFF8000  }
0x10a: {  	[hbm4b:s30+s2] =	stream.linear.scatter [tilespmem:s5], [sflag:$0x6], $0x8000, $0x38;
	[tilespmem:$0x18000] =	vst v63  }
0x10b: {  	_ =	swait.ge [sflag:s4], $0x8000  }
0x10c: {  	[sflag:s4] =	ssyncset.done $0x0  }
0x10d: {  	p0 =	sne.s32 s0, $0x1;
	[sflag:s4] =	ssyncadd.s32 $0xFFFF8000  }
0x10e: {  	[hbm4b:s31+s2] =	stream.linear.scatter [tilespmem:s2], [sflag:$0x4], $0x8000, $0x38;
	[tilespmem:$0x18000] =	vst v63  }
.Ltmp1:
0x10f: {  	_ =	swait.ge [sflag:s10], $0x8000;
	(pc) =	sbr.rel @p0 .LBB2_1-.Ltmp1, $4  }
0x110: {  	[sflag:s10] =	ssyncset.done $0x0  }
0x111: {  	[sflag:s10] =	ssyncadd.s32 $0xFFFF8000  }
0x112: {  	_ =	swait.ge [sflag:s7], $0x8000  }
0x113: {  	s0 =	sadd.s32 $0xFFFFFFFF, s0;
	[sflag:s7] =	ssyncset.done $0x0  }
.LBB2_2:
0x114: {  	[sflag:s7] =	ssyncadd.s32 $0xFFFF8000  }
0x115: {  	_ =	sfence.sel $0x180000  }
0x116: {  	[bflag:$0x0] =	sbarrier.arrive $0xFFFF  }
0x117: {  	_ =	strace $0x90000047  }
0x118: {  	s0 =	stileid.u32;
	[bflag:$0x2] =	sbarrier.arrive $0xFFFF  }
0x119: {  	p0 =	sne.s32 s0, $0x0;
	s0 =	rddreg [dreg:$0x2]  }
0x11a: {  	s0 =	sadd.s32 @!p0 $0x100000, s0  }
0x11b: {  	[sflag:s0] =	ssyncadd.tile.s32 @!p0 $0x1;
	_ =	shalt  }
.Lfunc_end2:
_tile_overlayer_lowered:
.L_overlay_start_2:
0x11c: {  	(tag) =	ssettag $0x2  }
0x11d: {  	s0 =	rddreg [dreg:$0x0];
	s2 =	stileid.u32  }
0x11e: {  	s1 =	rddreg [dreg:$0x1];
	p0 =	sne.s32 s2, $0x0  }
0x11f: {  	s3 =	rddreg [dreg:$0x2];
	[bflag:$0x3] =	sbarrier.arrive $0xFFFF;
	s2 =	simm.s32 @!p0 $0x1C07  }
0x120: {  	[timem:s3], [sflag:s2] =	dma.local @!p0 [hbm:s0], s1  }
0x121: {  	s0 =	simm.s32 @!p0 $0x7  }
0x122: {  	_ =	swait.ge @!p0 [sflag:s0], s1  }
0x123: {  	s1 =	ssub.s32 @!p0 $0x0, s1;
	[sflag:s0] =	ssyncset.done @!p0 $0x0  }
0x124: {  	[sflag:s0] =	ssyncadd.s32 @!p0 s1  }
0x125: {  	[bflag:$0x3] =	sbarrier.arrive $0xFFFF  }
0x126: {  	_ =	shalt  }

</sc_bundles>
